<compile_context>
chip_gen: v7x
topology: tpu7x:2x2x1
jax: 0.10.2.dev20260603
libtpu: 0.0.44.dev20260713+nightly
codegen_flags: <defaults>
</compile_context>

<pallas_src>
import functools

import jax
import jax.numpy as jnp
from jax import lax
from jax.experimental import pallas as pl
from jax.experimental.pallas import tpu as pltpu
from jax.experimental.pallas import tpu_sc as plsc

N = 10000
E = 320000
D = 128
DP = 144
NC = 2
NS = 16
NW = NC * NS
EW = E // NW
B = 80
NCHUNK = EW // B
NP = 10240
ACC_ROWS = 10368
STRIPE = ACC_ROWS // NS
ZR = 72


def _prep_body(x_ref, ws_ref, wd_ref, r0_ref, up_ref, v_ref, s0_ref):
    x = x_ref[...]
    u = jnp.dot(x, ws_ref[...], precision=lax.Precision.HIGHEST,
                preferred_element_type=jnp.float32)
    v_ref[...] = jnp.dot(x, wd_ref[...], precision=lax.Precision.HIGHEST,
                         preferred_element_type=jnp.float32)
    s0_ref[...] = jnp.dot(x, r0_ref[...], precision=lax.Precision.HIGHEST,
                          preferred_element_type=jnp.float32)
    up_ref[...] = u


def _final_body(acc_ref, s0_ref, den_ref, bias_ref, r1_ref, rb_ref, out_ref):
    num = acc_ref[0] + acc_ref[1]
    h = num / (den_ref[...] + 1e-9)
    f1 = h + bias_ref[...]
    f1 = jnp.maximum(f1, 0.2 * f1)
    out_ref[...] = (s0_ref[...] + rb_ref[...]
                    + jnp.dot(f1, r1_ref[...], precision=lax.Precision.HIGHEST,
                              preferred_element_type=jnp.float32))


def _sc_edge_body(up_hbm, v_hbm, src_hbm, dst_hbm, attn_hbm, out_hbm,
                  idx_src, idx_dst, u_buf, v_buf, wmat, den2d,
                  attn_v, zbuf, acc_sh, sem):
    cid = lax.axis_index("c")
    sid = lax.axis_index("s")
    wid = cid * NS + sid
    zero16 = jnp.zeros((16,), jnp.float32)
    iota16 = lax.iota(jnp.int32, 16)

    def zrow(r, c):
        for k in range(D // 16):
            zbuf[r, pl.ds(k * 16, 16)] = zero16
        return c
    lax.fori_loop(0, ZR, zrow, 0)
    for t in range(STRIPE // ZR):
        pltpu.sync_copy(zbuf, acc_sh.at[pl.ds(sid * STRIPE + t * ZR, ZR)])

    def zden(r, c):
        for k in range(D // 16):
            den2d[r, pl.ds(k * 16, 16)] = zero16
        return c
    lax.fori_loop(0, NP // D, zden, 0)
    plsc.subcore_barrier()

    pltpu.sync_copy(attn_hbm, attn_v)
    a_sl = tuple(attn_v[pl.ds(k * 16, 16)] for k in range(D // 16))

    def edge_body(e, c):
        acc = zero16
        for k in range(D // 16):
            uu = u_buf[e, pl.ds(k * 16, 16)]
            vv = v_buf[e, pl.ds(k * 16, 16)]
            x = uu + vv
            t = jnp.maximum(x, 0.2 * x)
            acc = acc + t * a_sl[k]
        for k in (8, 4, 2, 1):
            acc = acc + acc.at[iota16 ^ k].get(mode="promise_in_bounds",
                                               unique_indices=True)
        wv = jnp.exp(acc)
        for k in range(D // 16):
            u_buf[e, pl.ds(k * 16, 16)] = u_buf[e, pl.ds(k * 16, 16)] * wv
        wmat[pl.ds(e * 16, 16)] = wv
        return c

    def chunk_body(c, carry):
        base = wid * EW + c * B
        pltpu.sync_copy(src_hbm.at[pl.ds(base, B)], idx_src)
        pltpu.sync_copy(dst_hbm.at[pl.ds(base, B)], idx_dst)
        pltpu.async_copy(up_hbm.at[idx_src], u_buf, sem).wait()
        pltpu.async_copy(v_hbm.at[idx_dst], v_buf, sem).wait()
        lax.fori_loop(0, B, edge_body, 0)
        pltpu.sync_copy(u_buf, acc_sh.at[idx_dst], add=True)
        for g in range(B // 16):
            dv = idx_dst[pl.ds(g * 16, 16)]
            wvec = plsc.load_gather(wmat, [(iota16 + g * 16) * 16])
            ks, ws = plsc.sort_key_val(dv, wvec)
            for d_ in (1, 2, 4, 8):
                idxd = jnp.minimum(iota16 + d_, 15)
                ksh = ks.at[idxd].get(mode="promise_in_bounds")
                wsh = ws.at[idxd].get(mode="promise_in_bounds")
                cond = (ksh == ks) & (iota16 < 16 - d_)
                ws = ws + jnp.where(cond, wsh, 0.0)
            kprev = ks.at[jnp.maximum(iota16 - 1, 0)].get(
                mode="promise_in_bounds")
            first = (iota16 == 0) | (kprev != ks)
            plsc.addupdate_scatter(
                den2d, [lax.shift_right_logical(ks, 7), ks & 127], ws,
                mask=first)
        return carry

    lax.fori_loop(0, NCHUNK, chunk_body, 0)
    for t in range(5):
        idx_src[pl.ds(t * 16, 16)] = NP + t * 16 + iota16
    pltpu.sync_copy(den2d, acc_sh.at[idx_src], add=True)
    plsc.subcore_barrier()
    pltpu.sync_copy(acc_sh.at[pl.ds(sid * STRIPE, STRIPE)],
                    out_hbm.at[cid, pl.ds(sid * STRIPE, STRIPE)])


_sc_edge = pl.kernel(
    _sc_edge_body,
    out_type=jax.ShapeDtypeStruct((NC, ACC_ROWS, D), jnp.float32),
    mesh=plsc.VectorSubcoreMesh(core_axis_name="c", subcore_axis_name="s",
                                num_cores=NC, num_subcores=NS),
    compiler_params=pltpu.CompilerParams(needs_layout_passes=False),
    scratch_types=[
        pltpu.VMEM((B,), jnp.int32),
        pltpu.VMEM((B,), jnp.int32),
        pltpu.VMEM((B, D), jnp.float32),
        pltpu.VMEM((B, D), jnp.float32),
        pltpu.VMEM((B * 16,), jnp.float32),
        pltpu.VMEM((NP // D, D), jnp.float32),
        pltpu.VMEM((D,), jnp.float32),
        pltpu.VMEM((ZR, D), jnp.float32),
        pltpu.VMEM_SHARED((ACC_ROWS, D), jnp.float32),
        pltpu.SemaphoreType.DMA,
    ],
)

_RB = 1000


def kernel(feats, edge_index, W_src, W_dst, attn, bias, R0_W, R0_b, R1_W, R1_b):
    src = edge_index[0].astype(jnp.int32)
    dst = edge_index[1].astype(jnp.int32)
    attn_flat = attn.reshape(D).astype(jnp.float32)

    up, v, s0 = pl.pallas_call(
        _prep_body,
        grid=(N // _RB,),
        in_specs=[
            pl.BlockSpec((_RB, D), lambda i: (i, 0)),
            pl.BlockSpec((D, D), lambda i: (0, 0)),
            pl.BlockSpec((D, D), lambda i: (0, 0)),
            pl.BlockSpec((D, D), lambda i: (0, 0)),
        ],
        out_specs=[
            pl.BlockSpec((_RB, D), lambda i: (i, 0)),
            pl.BlockSpec((_RB, D), lambda i: (i, 0)),
            pl.BlockSpec((_RB, D), lambda i: (i, 0)),
        ],
        out_shape=[
            jax.ShapeDtypeStruct((N, D), jnp.float32),
            jax.ShapeDtypeStruct((N, D), jnp.float32),
            jax.ShapeDtypeStruct((N, D), jnp.float32),
        ],
    )(feats, W_src, W_dst, R0_W)

    acc = _sc_edge(up, v, src, dst, attn_flat)

    den = (acc[0, NP:NP + N // D + 1] + acc[1, NP:NP + N // D + 1])
    den = den.reshape(-1)[:N, None]
    den_b = jnp.broadcast_to(den, (N, D))

    rb = (R0_b + R1_b).reshape(1, D).astype(jnp.float32)
    bias2 = bias.reshape(1, D).astype(jnp.float32)
    _FB = 1024
    out = pl.pallas_call(
        _final_body,
        grid=(NP // _FB,),
        in_specs=[
            pl.BlockSpec((NC, _FB, D), lambda i: (0, i, 0)),
            pl.BlockSpec((_FB, D), lambda i: (i, 0)),
            pl.BlockSpec((_FB, D), lambda i: (i, 0)),
            pl.BlockSpec((1, D), lambda i: (0, 0)),
            pl.BlockSpec((D, D), lambda i: (0, 0)),
            pl.BlockSpec((1, D), lambda i: (0, 0)),
        ],
        out_specs=pl.BlockSpec((_FB, D), lambda i: (i, 0)),
        out_shape=jax.ShapeDtypeStruct((N, D), jnp.float32),
    )(acc[:, :NP], s0, den_b, bias2, R1_W, rb)
    return out

# --- scband reference (transcript-rebuilt; emitter-appended) ---
"""Pipeline reference for scband-gatmodel-30030411333651 (READ-ONLY COPY).

The authoritative reference and input builder live on the scoring server;
editing this copy changes nothing except your own understanding.
"""

import jax, jax.numpy as jnp
import numpy as np

N = 10000
E = 320000
D_IN = 128
H = 1
D_HID = 128
D_OUT = 128


def setup_inputs(seed: int = 0) -> dict:
    key = jax.random.key(seed)
    ks = jax.random.split(key, 12)
    feats = jax.random.normal(ks[0], (N, D_IN), dtype=jnp.float32)
    edge_index = jax.random.randint(ks[1], (2, E), 0, N, dtype=jnp.int64)
    s = 0.05
    W_src = jax.random.normal(ks[2], (D_IN, H * D_HID), dtype=jnp.float32) * s
    W_dst = jax.random.normal(ks[3], (D_IN, H * D_HID), dtype=jnp.float32) * s
    attn = jax.random.normal(ks[4], (H, D_HID), dtype=jnp.float32) * s
    bias = jnp.zeros((H * D_HID,), dtype=jnp.float32)
    R0_W = jax.random.normal(ks[5], (D_IN, D_OUT), dtype=jnp.float32) * s
    R0_b = jnp.zeros((D_OUT,), dtype=jnp.float32)
    R1_W = jax.random.normal(ks[6], (H * D_HID, D_OUT), dtype=jnp.float32) * s
    R1_b = jnp.zeros((D_OUT,), dtype=jnp.float32)
    return {"feats": feats, "edge_index": edge_index, "W_src": W_src, "W_dst": W_dst,
            "attn": attn, "bias": bias, "R0_W": R0_W, "R0_b": R0_b, "R1_W": R1_W, "R1_b": R1_b}


def _gatv2_layer(feats, src, dst, W_src, W_dst, attn, bias):
    n = feats.shape[0]
    h_src = (feats @ W_src).reshape(n, H, D_HID)
    h_dst = (feats @ W_dst).reshape(n, H, D_HID)
    # GATv2: e_ij = a^T LeakyReLU(W_src h_i + W_dst h_j)
    e = jax.nn.leaky_relu(h_src[src] + h_dst[dst], negative_slope=0.2)  # [E,H,D]
    logits = jnp.sum(e * attn[None, :, :], axis=-1)  # [E,H]
    # edge softmax over incoming edges per destination node
    m = jax.ops.segment_max(logits, dst, num_segments=n)
    m = jnp.where(jnp.isfinite(m), m, 0.0)
    ex = jnp.exp(logits - m[dst])
    denom = jax.ops.segment_sum(ex, dst, num_segments=n)
    alpha = ex / (denom[dst] + 1e-9)  # [E,H]
    msg = alpha[:, :, None] * h_src[src]  # [E,H,D]
    out = jax.ops.segment_sum(msg, dst, num_segments=n)  # [N,H,D]
    return out.reshape(n, H * D_HID) + bias


def reference(feats, edge_index, W_src, W_dst, attn, bias, R0_W, R0_b, R1_W, R1_b):
    src = edge_index[0]
    dst = edge_index[1]
    # input_dropout = 0, feats_perturb = 0
    feats0 = feats
    h = _gatv2_layer(feats0, src, dst, W_src, W_dst, attn, bias)
    # norm='none' -> identity; activation LeakyReLU(0.2); dropout=0 in eval
    feats1 = jax.nn.leaky_relu(h, negative_slope=0.2)
    # jumping knowledge: sum of per-layer readouts (single-linear MLPs)
    score = (feats0 @ R0_W + R0_b) + (feats1 @ R1_W + R1_b)
    return score

if __name__ == "__main__":
    import jax
    _d = setup_inputs()
    print(jax.jit(kernel)(*tuple(_d.values())))

</pallas_src>

<mosaic_0001>
#map = affine_map<(d0, d1) -> (0, 0)>
#map1 = affine_map<(d0, d1) -> (0)>
#map2 = affine_map<(d0, d1) -> (0, 0, 0)>
module attributes {stable_mosaic.version = 14 : i64} {
  func.func @_sc_edge_body(%arg0: i32, %arg1: i32, %arg2: memref<10000x128xf32, #tpu.memory_space<hbm>>, %arg3: memref<10000x128xf32, #tpu.memory_space<hbm>>, %arg4: memref<320000xi32, #tpu.memory_space<hbm>>, %arg5: memref<320000xi32, #tpu.memory_space<hbm>>, %arg6: memref<128xf32, #tpu.memory_space<hbm>>, %arg7: memref<2x10368x128xf32, #tpu.memory_space<hbm>>, %arg8: memref<80xi32, #tpu.memory_space<vmem>>, %arg9: memref<80xi32, #tpu.memory_space<vmem>>, %arg10: memref<80x128xf32, #tpu.memory_space<vmem>>, %arg11: memref<80x128xf32, #tpu.memory_space<vmem>>, %arg12: memref<1280xf32, #tpu.memory_space<vmem>>, %arg13: memref<80x128xf32, #tpu.memory_space<vmem>>, %arg14: memref<128xf32, #tpu.memory_space<vmem>>, %arg15: memref<72x128xf32, #tpu.memory_space<vmem>>, %arg16: memref<10368x128xf32, #tpu.memory_space<vmem_shared>>, %arg17: memref<!tpu.dma_semaphore, #tpu.memory_space<semaphore_mem>>) attributes {dimension_semantics = [#tpu.dimension_semantics<core_parallel>, #tpu.dimension_semantics<subcore_parallel>], iteration_bounds = array<i64: 2, 16>, scalar_prefetch = 0 : i64, scratch_operands = 10 : i64, tpu.core_type = #tpu.core_type<sc_vector_subcore>, window_params = [{transform_indices = #map}, {transform_indices = #map}, {transform_indices = #map1}, {transform_indices = #map1}, {transform_indices = #map1}, {transform_indices = #map2}]} {
    %mul3A = arith.constant 16 : i32
    %mul3A_0 = arith.muli %arg0, %mul3A : i32
    %add3A = arith.addi %mul3A_0, %arg1 : i32
    %broadcast_in_dim3A = arith.constant 0.000000e+00 : f32
    %broadcast_in_dim3A_1 = vector.broadcast %broadcast_in_dim3A : f32 to vector<16xf32>
    %iota3A = tpu.iota {dimensions = array<i32: 0>} : vector<16xi32>
    %scan3A = arith.constant 0 : i32
    %scan3A_2 = arith.constant 0 : i32
    %scan3A_3 = arith.constant 72 : i32
    %scan3A_4 = arith.addi %scan3A_2, %scan3A_3 : i32
    %scan3A_5 = arith.constant 1 : i32
    scf.for %scan3A_99 = %scan3A_2 to %scan3A_4 step %scan3A_5  : i32 {
      %swap3A_100 = arith.index_cast %scan3A_99 : i32 to index
      %swap3A_101 = arith.constant 0 : index
      %swap3A_102 = tpu.vector_load %arg15[%swap3A_100, %swap3A_101] {strides = array<i32>} : memref<72x128xf32, #tpu.memory_space<vmem>>, vector<16xf32>,
      tpu.vector_store %arg15[%swap3A_100, %swap3A_101], %broadcast_in_dim3A_1 {strides = array<i32>} : memref<72x128xf32, #tpu.memory_space<vmem>>, vector<16xf32>,
      %swap3A_103 = arith.index_cast %scan3A_99 : i32 to index
      %swap3A_104 = arith.constant 16 : index
      %swap3A_105 = tpu.vector_load %arg15[%swap3A_103, %swap3A_104] {strides = array<i32>} : memref<72x128xf32, #tpu.memory_space<vmem>>, vector<16xf32>,
      tpu.vector_store %arg15[%swap3A_103, %swap3A_104], %broadcast_in_dim3A_1 {strides = array<i32>} : memref<72x128xf32, #tpu.memory_space<vmem>>, vector<16xf32>,
      %swap3A_106 = arith.index_cast %scan3A_99 : i32 to index
      %swap3A_107 = arith.constant 32 : index
      %swap3A_108 = tpu.vector_load %arg15[%swap3A_106, %swap3A_107] {strides = array<i32>} : memref<72x128xf32, #tpu.memory_space<vmem>>, vector<16xf32>,
      tpu.vector_store %arg15[%swap3A_106, %swap3A_107], %broadcast_in_dim3A_1 {strides = array<i32>} : memref<72x128xf32, #tpu.memory_space<vmem>>, vector<16xf32>,
      %swap3A_109 = arith.index_cast %scan3A_99 : i32 to index
      %swap3A_110 = arith.constant 48 : index
      %swap3A_111 = tpu.vector_load %arg15[%swap3A_109, %swap3A_110] {strides = array<i32>} : memref<72x128xf32, #tpu.memory_space<vmem>>, vector<16xf32>,
      tpu.vector_store %arg15[%swap3A_109, %swap3A_110], %broadcast_in_dim3A_1 {strides = array<i32>} : memref<72x128xf32, #tpu.memory_space<vmem>>, vector<16xf32>,
      %swap3A_112 = arith.index_cast %scan3A_99 : i32 to index
      %swap3A_113 = arith.constant 64 : index
      %swap3A_114 = tpu.vector_load %arg15[%swap3A_112, %swap3A_113] {strides = array<i32>} : memref<72x128xf32, #tpu.memory_space<vmem>>, vector<16xf32>,
      tpu.vector_store %arg15[%swap3A_112, %swap3A_113], %broadcast_in_dim3A_1 {strides = array<i32>} : memref<72x128xf32, #tpu.memory_space<vmem>>, vector<16xf32>,
      %swap3A_115 = arith.index_cast %scan3A_99 : i32 to index
      %swap3A_116 = arith.constant 80 : index
      %swap3A_117 = tpu.vector_load %arg15[%swap3A_115, %swap3A_116] {strides = array<i32>} : memref<72x128xf32, #tpu.memory_space<vmem>>, vector<16xf32>,
      tpu.vector_store %arg15[%swap3A_115, %swap3A_116], %broadcast_in_dim3A_1 {strides = array<i32>} : memref<72x128xf32, #tpu.memory_space<vmem>>, vector<16xf32>,
      %swap3A_118 = arith.index_cast %scan3A_99 : i32 to index
      %swap3A_119 = arith.constant 96 : index
      %swap3A_120 = tpu.vector_load %arg15[%swap3A_118, %swap3A_119] {strides = array<i32>} : memref<72x128xf32, #tpu.memory_space<vmem>>, vector<16xf32>,
      tpu.vector_store %arg15[%swap3A_118, %swap3A_119], %broadcast_in_dim3A_1 {strides = array<i32>} : memref<72x128xf32, #tpu.memory_space<vmem>>, vector<16xf32>,
      %swap3A_121 = arith.index_cast %scan3A_99 : i32 to index
      %swap3A_122 = arith.constant 112 : index
      %swap3A_123 = tpu.vector_load %arg15[%swap3A_121, %swap3A_122] {strides = array<i32>} : memref<72x128xf32, #tpu.memory_space<vmem>>, vector<16xf32>,
      tpu.vector_store %arg15[%swap3A_121, %swap3A_122], %broadcast_in_dim3A_1 {strides = array<i32>} : memref<72x128xf32, #tpu.memory_space<vmem>>, vector<16xf32>,
    }
    %scan3A_6 = arith.constant 72 : i32
    %mul3A_7 = arith.constant 648 : i32
    %mul3A_8 = arith.muli %arg1, %mul3A_7 : i32
    %add3A_9 = arith.constant 0 : i32
    %add3A_10 = arith.addi %mul3A_8, %add3A_9 : i32
    "tpu.region"() ({
      %run_scoped3A = tpu.sem_alloc : memref<!tpu.dma_semaphore, #tpu.memory_space<semaphore_mem>>
      %dma_start3A = arith.constant 0 : i32
      %dma_start3A_99 = tpu.memref_slice %arg16[%add3A_10, %dma_start3A] : memref<10368x128xf32, #tpu.memory_space<vmem_shared>> -> memref<72x128xf32, #tpu.memory_space<vmem_shared>>
      %dma_start3A_100 = arith.constant 0 : i32
      %dma_start3A_101 = tpu.memref_slice %arg16[%add3A_10, %dma_start3A_100] : memref<10368x128xf32, #tpu.memory_space<vmem_shared>> -> memref<72x128xf32, #tpu.memory_space<vmem_shared>>
      tpu.enqueue_dma source(%arg15 : memref<72x128xf32, #tpu.memory_space<vmem>>) target(%dma_start3A_101 : memref<72x128xf32, #tpu.memory_space<vmem_shared>>) target_semaphore(%run_scoped3A : memref<!tpu.dma_semaphore, #tpu.memory_space<semaphore_mem>>)
      %dma_wait3A = arith.constant 0 : i32
      %dma_wait3A_102 = tpu.memref_slice %arg16[%add3A_10, %dma_wait3A] : memref<10368x128xf32, #tpu.memory_space<vmem_shared>> -> memref<72x128xf32, #tpu.memory_space<vmem_shared>>
      %dma_wait3A_103 = arith.constant 0 : i32
      %dma_wait3A_104 = tpu.memref_slice %arg16[%add3A_10, %dma_wait3A_103] : memref<10368x128xf32, #tpu.memory_space<vmem_shared>> -> memref<72x128xf32, #tpu.memory_space<vmem_shared>>
      tpu.wait_dma2 semaphore(%run_scoped3A : memref<!tpu.dma_semaphore, #tpu.memory_space<semaphore_mem>>) src(%arg15 : memref<72x128xf32, #tpu.memory_space<vmem>>) dst(%dma_wait3A_104 : memref<72x128xf32, #tpu.memory_space<vmem_shared>>)
      tpu.yield
    }) : () -> ()
    %mul3A_11 = arith.constant 648 : i32
    %mul3A_12 = arith.muli %arg1, %mul3A_11 : i32
    %add3A_13 = arith.constant 72 : i32
    %add3A_14 = arith.addi %mul3A_12, %add3A_13 : i32
    "tpu.region"() ({
      %run_scoped3A = tpu.sem_alloc : memref<!tpu.dma_semaphore, #tpu.memory_space<semaphore_mem>>
      %dma_start3A = arith.constant 0 : i32
      %dma_start3A_99 = tpu.memref_slice %arg16[%add3A_14, %dma_start3A] : memref<10368x128xf32, #tpu.memory_space<vmem_shared>> -> memref<72x128xf32, #tpu.memory_space<vmem_shared>>
      %dma_start3A_100 = arith.constant 0 : i32
      %dma_start3A_101 = tpu.memref_slice %arg16[%add3A_14, %dma_start3A_100] : memref<10368x128xf32, #tpu.memory_space<vmem_shared>> -> memref<72x128xf32, #tpu.memory_space<vmem_shared>>
      tpu.enqueue_dma source(%arg15 : memref<72x128xf32, #tpu.memory_space<vmem>>) target(%dma_start3A_101 : memref<72x128xf32, #tpu.memory_space<vmem_shared>>) target_semaphore(%run_scoped3A : memref<!tpu.dma_semaphore, #tpu.memory_space<semaphore_mem>>)
      %dma_wait3A = arith.constant 0 : i32
      %dma_wait3A_102 = tpu.memref_slice %arg16[%add3A_14, %dma_wait3A] : memref<10368x128xf32, #tpu.memory_space<vmem_shared>> -> memref<72x128xf32, #tpu.memory_space<vmem_shared>>
      %dma_wait3A_103 = arith.constant 0 : i32
      %dma_wait3A_104 = tpu.memref_slice %arg16[%add3A_14, %dma_wait3A_103] : memref<10368x128xf32, #tpu.memory_space<vmem_shared>> -> memref<72x128xf32, #tpu.memory_space<vmem_shared>>
      tpu.wait_dma2 semaphore(%run_scoped3A : memref<!tpu.dma_semaphore, #tpu.memory_space<semaphore_mem>>) src(%arg15 : memref<72x128xf32, #tpu.memory_space<vmem>>) dst(%dma_wait3A_104 : memref<72x128xf32, #tpu.memory_space<vmem_shared>>)
      tpu.yield
    }) : () -> ()
    %mul3A_15 = arith.constant 648 : i32
    %mul3A_16 = arith.muli %arg1, %mul3A_15 : i32
    %add3A_17 = arith.constant 144 : i32
    %add3A_18 = arith.addi %mul3A_16, %add3A_17 : i32
    "tpu.region"() ({
      %run_scoped3A = tpu.sem_alloc : memref<!tpu.dma_semaphore, #tpu.memory_space<semaphore_mem>>
      %dma_start3A = arith.constant 0 : i32
      %dma_start3A_99 = tpu.memref_slice %arg16[%add3A_18, %dma_start3A] : memref<10368x128xf32, #tpu.memory_space<vmem_shared>> -> memref<72x128xf32, #tpu.memory_space<vmem_shared>>
      %dma_start3A_100 = arith.constant 0 : i32
      %dma_start3A_101 = tpu.memref_slice %arg16[%add3A_18, %dma_start3A_100] : memref<10368x128xf32, #tpu.memory_space<vmem_shared>> -> memref<72x128xf32, #tpu.memory_space<vmem_shared>>
      tpu.enqueue_dma source(%arg15 : memref<72x128xf32, #tpu.memory_space<vmem>>) target(%dma_start3A_101 : memref<72x128xf32, #tpu.memory_space<vmem_shared>>) target_semaphore(%run_scoped3A : memref<!tpu.dma_semaphore, #tpu.memory_space<semaphore_mem>>)
      %dma_wait3A = arith.constant 0 : i32
      %dma_wait3A_102 = tpu.memref_slice %arg16[%add3A_18, %dma_wait3A] : memref<10368x128xf32, #tpu.memory_space<vmem_shared>> -> memref<72x128xf32, #tpu.memory_space<vmem_shared>>
      %dma_wait3A_103 = arith.constant 0 : i32
      %dma_wait3A_104 = tpu.memref_slice %arg16[%add3A_18, %dma_wait3A_103] : memref<10368x128xf32, #tpu.memory_space<vmem_shared>> -> memref<72x128xf32, #tpu.memory_space<vmem_shared>>
      tpu.wait_dma2 semaphore(%run_scoped3A : memref<!tpu.dma_semaphore, #tpu.memory_space<semaphore_mem>>) src(%arg15 : memref<72x128xf32, #tpu.memory_space<vmem>>) dst(%dma_wait3A_104 : memref<72x128xf32, #tpu.memory_space<vmem_shared>>)
      tpu.yield
    }) : () -> ()
    %mul3A_19 = arith.constant 648 : i32
    %mul3A_20 = arith.muli %arg1, %mul3A_19 : i32
    %add3A_21 = arith.constant 216 : i32
    %add3A_22 = arith.addi %mul3A_20, %add3A_21 : i32
    "tpu.region"() ({
      %run_scoped3A = tpu.sem_alloc : memref<!tpu.dma_semaphore, #tpu.memory_space<semaphore_mem>>
      %dma_start3A = arith.constant 0 : i32
      %dma_start3A_99 = tpu.memref_slice %arg16[%add3A_22, %dma_start3A] : memref<10368x128xf32, #tpu.memory_space<vmem_shared>> -> memref<72x128xf32, #tpu.memory_space<vmem_shared>>
      %dma_start3A_100 = arith.constant 0 : i32
      %dma_start3A_101 = tpu.memref_slice %arg16[%add3A_22, %dma_start3A_100] : memref<10368x128xf32, #tpu.memory_space<vmem_shared>> -> memref<72x128xf32, #tpu.memory_space<vmem_shared>>
      tpu.enqueue_dma source(%arg15 : memref<72x128xf32, #tpu.memory_space<vmem>>) target(%dma_start3A_101 : memref<72x128xf32, #tpu.memory_space<vmem_shared>>) target_semaphore(%run_scoped3A : memref<!tpu.dma_semaphore, #tpu.memory_space<semaphore_mem>>)
      %dma_wait3A = arith.constant 0 : i32
      %dma_wait3A_102 = tpu.memref_slice %arg16[%add3A_22, %dma_wait3A] : memref<10368x128xf32, #tpu.memory_space<vmem_shared>> -> memref<72x128xf32, #tpu.memory_space<vmem_shared>>
      %dma_wait3A_103 = arith.constant 0 : i32
      %dma_wait3A_104 = tpu.memref_slice %arg16[%add3A_22, %dma_wait3A_103] : memref<10368x128xf32, #tpu.memory_space<vmem_shared>> -> memref<72x128xf32, #tpu.memory_space<vmem_shared>>
      tpu.wait_dma2 semaphore(%run_scoped3A : memref<!tpu.dma_semaphore, #tpu.memory_space<semaphore_mem>>) src(%arg15 : memref<72x128xf32, #tpu.memory_space<vmem>>) dst(%dma_wait3A_104 : memref<72x128xf32, #tpu.memory_space<vmem_shared>>)
      tpu.yield
    }) : () -> ()
    %mul3A_23 = arith.constant 648 : i32
    %mul3A_24 = arith.muli %arg1, %mul3A_23 : i32
    %add3A_25 = arith.constant 288 : i32
    %add3A_26 = arith.addi %mul3A_24, %add3A_25 : i32
    "tpu.region"() ({
      %run_scoped3A = tpu.sem_alloc : memref<!tpu.dma_semaphore, #tpu.memory_space<semaphore_mem>>
      %dma_start3A = arith.constant 0 : i32
      %dma_start3A_99 = tpu.memref_slice %arg16[%add3A_26, %dma_start3A] : memref<10368x128xf32, #tpu.memory_space<vmem_shared>> -> memref<72x128xf32, #tpu.memory_space<vmem_shared>>
      %dma_start3A_100 = arith.constant 0 : i32
      %dma_start3A_101 = tpu.memref_slice %arg16[%add3A_26, %dma_start3A_100] : memref<10368x128xf32, #tpu.memory_space<vmem_shared>> -> memref<72x128xf32, #tpu.memory_space<vmem_shared>>
      tpu.enqueue_dma source(%arg15 : memref<72x128xf32, #tpu.memory_space<vmem>>) target(%dma_start3A_101 : memref<72x128xf32, #tpu.memory_space<vmem_shared>>) target_semaphore(%run_scoped3A : memref<!tpu.dma_semaphore, #tpu.memory_space<semaphore_mem>>)
      %dma_wait3A = arith.constant 0 : i32
      %dma_wait3A_102 = tpu.memref_slice %arg16[%add3A_26, %dma_wait3A] : memref<10368x128xf32, #tpu.memory_space<vmem_shared>> -> memref<72x128xf32, #tpu.memory_space<vmem_shared>>
      %dma_wait3A_103 = arith.constant 0 : i32
      %dma_wait3A_104 = tpu.memref_slice %arg16[%add3A_26, %dma_wait3A_103] : memref<10368x128xf32, #tpu.memory_space<vmem_shared>> -> memref<72x128xf32, #tpu.memory_space<vmem_shared>>
      tpu.wait_dma2 semaphore(%run_scoped3A : memref<!tpu.dma_semaphore, #tpu.memory_space<semaphore_mem>>) src(%arg15 : memref<72x128xf32, #tpu.memory_space<vmem>>) dst(%dma_wait3A_104 : memref<72x128xf32, #tpu.memory_space<vmem_shared>>)
      tpu.yield
    }) : () -> ()
    %mul3A_27 = arith.constant 648 : i32
    %mul3A_28 = arith.muli %arg1, %mul3A_27 : i32
    %add3A_29 = arith.constant 360 : i32
    %add3A_30 = arith.addi %mul3A_28, %add3A_29 : i32
    "tpu.region"() ({
      %run_scoped3A = tpu.sem_alloc : memref<!tpu.dma_semaphore, #tpu.memory_space<semaphore_mem>>
      %dma_start3A = arith.constant 0 : i32
      %dma_start3A_99 = tpu.memref_slice %arg16[%add3A_30, %dma_start3A] : memref<10368x128xf32, #tpu.memory_space<vmem_shared>> -> memref<72x128xf32, #tpu.memory_space<vmem_shared>>
      %dma_start3A_100 = arith.constant 0 : i32
      %dma_start3A_101 = tpu.memref_slice %arg16[%add3A_30, %dma_start3A_100] : memref<10368x128xf32, #tpu.memory_space<vmem_shared>> -> memref<72x128xf32, #tpu.memory_space<vmem_shared>>
      tpu.enqueue_dma source(%arg15 : memref<72x128xf32, #tpu.memory_space<vmem>>) target(%dma_start3A_101 : memref<72x128xf32, #tpu.memory_space<vmem_shared>>) target_semaphore(%run_scoped3A : memref<!tpu.dma_semaphore, #tpu.memory_space<semaphore_mem>>)
      %dma_wait3A = arith.constant 0 : i32
      %dma_wait3A_102 = tpu.memref_slice %arg16[%add3A_30, %dma_wait3A] : memref<10368x128xf32, #tpu.memory_space<vmem_shared>> -> memref<72x128xf32, #tpu.memory_space<vmem_shared>>
      %dma_wait3A_103 = arith.constant 0 : i32
      %dma_wait3A_104 = tpu.memref_slice %arg16[%add3A_30, %dma_wait3A_103] : memref<10368x128xf32, #tpu.memory_space<vmem_shared>> -> memref<72x128xf32, #tpu.memory_space<vmem_shared>>
      tpu.wait_dma2 semaphore(%run_scoped3A : memref<!tpu.dma_semaphore, #tpu.memory_space<semaphore_mem>>) src(%arg15 : memref<72x128xf32, #tpu.memory_space<vmem>>) dst(%dma_wait3A_104 : memref<72x128xf32, #tpu.memory_space<vmem_shared>>)
      tpu.yield
    }) : () -> ()
    %mul3A_31 = arith.constant 648 : i32
    %mul3A_32 = arith.muli %arg1, %mul3A_31 : i32
    %add3A_33 = arith.constant 432 : i32
    %add3A_34 = arith.addi %mul3A_32, %add3A_33 : i32
    "tpu.region"() ({
      %run_scoped3A = tpu.sem_alloc : memref<!tpu.dma_semaphore, #tpu.memory_space<semaphore_mem>>
      %dma_start3A = arith.constant 0 : i32
      %dma_start3A_99 = tpu.memref_slice %arg16[%add3A_34, %dma_start3A] : memref<10368x128xf32, #tpu.memory_space<vmem_shared>> -> memref<72x128xf32, #tpu.memory_space<vmem_shared>>
      %dma_start3A_100 = arith.constant 0 : i32
      %dma_start3A_101 = tpu.memref_slice %arg16[%add3A_34, %dma_start3A_100] : memref<10368x128xf32, #tpu.memory_space<vmem_shared>> -> memref<72x128xf32, #tpu.memory_space<vmem_shared>>
      tpu.enqueue_dma source(%arg15 : memref<72x128xf32, #tpu.memory_space<vmem>>) target(%dma_start3A_101 : memref<72x128xf32, #tpu.memory_space<vmem_shared>>) target_semaphore(%run_scoped3A : memref<!tpu.dma_semaphore, #tpu.memory_space<semaphore_mem>>)
      %dma_wait3A = arith.constant 0 : i32
      %dma_wait3A_102 = tpu.memref_slice %arg16[%add3A_34, %dma_wait3A] : memref<10368x128xf32, #tpu.memory_space<vmem_shared>> -> memref<72x128xf32, #tpu.memory_space<vmem_shared>>
      %dma_wait3A_103 = arith.constant 0 : i32
      %dma_wait3A_104 = tpu.memref_slice %arg16[%add3A_34, %dma_wait3A_103] : memref<10368x128xf32, #tpu.memory_space<vmem_shared>> -> memref<72x128xf32, #tpu.memory_space<vmem_shared>>
      tpu.wait_dma2 semaphore(%run_scoped3A : memref<!tpu.dma_semaphore, #tpu.memory_space<semaphore_mem>>) src(%arg15 : memref<72x128xf32, #tpu.memory_space<vmem>>) dst(%dma_wait3A_104 : memref<72x128xf32, #tpu.memory_space<vmem_shared>>)
      tpu.yield
    }) : () -> ()
    %mul3A_35 = arith.constant 648 : i32
    %mul3A_36 = arith.muli %arg1, %mul3A_35 : i32
    %add3A_37 = arith.constant 504 : i32
    %add3A_38 = arith.addi %mul3A_36, %add3A_37 : i32
    "tpu.region"() ({
      %run_scoped3A = tpu.sem_alloc : memref<!tpu.dma_semaphore, #tpu.memory_space<semaphore_mem>>
      %dma_start3A = arith.constant 0 : i32
      %dma_start3A_99 = tpu.memref_slice %arg16[%add3A_38, %dma_start3A] : memref<10368x128xf32, #tpu.memory_space<vmem_shared>> -> memref<72x128xf32, #tpu.memory_space<vmem_shared>>
      %dma_start3A_100 = arith.constant 0 : i32
      %dma_start3A_101 = tpu.memref_slice %arg16[%add3A_38, %dma_start3A_100] : memref<10368x128xf32, #tpu.memory_space<vmem_shared>> -> memref<72x128xf32, #tpu.memory_space<vmem_shared>>
      tpu.enqueue_dma source(%arg15 : memref<72x128xf32, #tpu.memory_space<vmem>>) target(%dma_start3A_101 : memref<72x128xf32, #tpu.memory_space<vmem_shared>>) target_semaphore(%run_scoped3A : memref<!tpu.dma_semaphore, #tpu.memory_space<semaphore_mem>>)
      %dma_wait3A = arith.constant 0 : i32
      %dma_wait3A_102 = tpu.memref_slice %arg16[%add3A_38, %dma_wait3A] : memref<10368x128xf32, #tpu.memory_space<vmem_shared>> -> memref<72x128xf32, #tpu.memory_space<vmem_shared>>
      %dma_wait3A_103 = arith.constant 0 : i32
      %dma_wait3A_104 = tpu.memref_slice %arg16[%add3A_38, %dma_wait3A_103] : memref<10368x128xf32, #tpu.memory_space<vmem_shared>> -> memref<72x128xf32, #tpu.memory_space<vmem_shared>>
      tpu.wait_dma2 semaphore(%run_scoped3A : memref<!tpu.dma_semaphore, #tpu.memory_space<semaphore_mem>>) src(%arg15 : memref<72x128xf32, #tpu.memory_space<vmem>>) dst(%dma_wait3A_104 : memref<72x128xf32, #tpu.memory_space<vmem_shared>>)
      tpu.yield
    }) : () -> ()
    %mul3A_39 = arith.constant 648 : i32
    %mul3A_40 = arith.muli %arg1, %mul3A_39 : i32
    %add3A_41 = arith.constant 576 : i32
    %add3A_42 = arith.addi %mul3A_40, %add3A_41 : i32
    "tpu.region"() ({
      %run_scoped3A = tpu.sem_alloc : memref<!tpu.dma_semaphore, #tpu.memory_space<semaphore_mem>>
      %dma_start3A = arith.constant 0 : i32
      %dma_start3A_99 = tpu.memref_slice %arg16[%add3A_42, %dma_start3A] : memref<10368x128xf32, #tpu.memory_space<vmem_shared>> -> memref<72x128xf32, #tpu.memory_space<vmem_shared>>
      %dma_start3A_100 = arith.constant 0 : i32
      %dma_start3A_101 = tpu.memref_slice %arg16[%add3A_42, %dma_start3A_100] : memref<10368x128xf32, #tpu.memory_space<vmem_shared>> -> memref<72x128xf32, #tpu.memory_space<vmem_shared>>
      tpu.enqueue_dma source(%arg15 : memref<72x128xf32, #tpu.memory_space<vmem>>) target(%dma_start3A_101 : memref<72x128xf32, #tpu.memory_space<vmem_shared>>) target_semaphore(%run_scoped3A : memref<!tpu.dma_semaphore, #tpu.memory_space<semaphore_mem>>)
      %dma_wait3A = arith.constant 0 : i32
      %dma_wait3A_102 = tpu.memref_slice %arg16[%add3A_42, %dma_wait3A] : memref<10368x128xf32, #tpu.memory_space<vmem_shared>> -> memref<72x128xf32, #tpu.memory_space<vmem_shared>>
      %dma_wait3A_103 = arith.constant 0 : i32
      %dma_wait3A_104 = tpu.memref_slice %arg16[%add3A_42, %dma_wait3A_103] : memref<10368x128xf32, #tpu.memory_space<vmem_shared>> -> memref<72x128xf32, #tpu.memory_space<vmem_shared>>
      tpu.wait_dma2 semaphore(%run_scoped3A : memref<!tpu.dma_semaphore, #tpu.memory_space<semaphore_mem>>) src(%arg15 : memref<72x128xf32, #tpu.memory_space<vmem>>) dst(%dma_wait3A_104 : memref<72x128xf32, #tpu.memory_space<vmem_shared>>)
      tpu.yield
    }) : () -> ()
    %scan3A_43 = arith.constant 0 : i32
    %scan3A_44 = arith.constant 0 : i32
    %scan3A_45 = arith.constant 80 : i32
    %scan3A_46 = arith.addi %scan3A_44, %scan3A_45 : i32
    %scan3A_47 = arith.constant 1 : i32
    scf.for %scan3A_99 = %scan3A_44 to %scan3A_46 step %scan3A_47  : i32 {
      %swap3A_100 = arith.index_cast %scan3A_99 : i32 to index
      %swap3A_101 = arith.constant 0 : index
      %swap3A_102 = tpu.vector_load %arg13[%swap3A_100, %swap3A_101] {strides = array<i32>} : memref<80x128xf32, #tpu.memory_space<vmem>>, vector<16xf32>,
      tpu.vector_store %arg13[%swap3A_100, %swap3A_101], %broadcast_in_dim3A_1 {strides = array<i32>} : memref<80x128xf32, #tpu.memory_space<vmem>>, vector<16xf32>,
      %swap3A_103 = arith.index_cast %scan3A_99 : i32 to index
      %swap3A_104 = arith.constant 16 : index
      %swap3A_105 = tpu.vector_load %arg13[%swap3A_103, %swap3A_104] {strides = array<i32>} : memref<80x128xf32, #tpu.memory_space<vmem>>, vector<16xf32>,
      tpu.vector_store %arg13[%swap3A_103, %swap3A_104], %broadcast_in_dim3A_1 {strides = array<i32>} : memref<80x128xf32, #tpu.memory_space<vmem>>, vector<16xf32>,
      %swap3A_106 = arith.index_cast %scan3A_99 : i32 to index
      %swap3A_107 = arith.constant 32 : index
      %swap3A_108 = tpu.vector_load %arg13[%swap3A_106, %swap3A_107] {strides = array<i32>} : memref<80x128xf32, #tpu.memory_space<vmem>>, vector<16xf32>,
      tpu.vector_store %arg13[%swap3A_106, %swap3A_107], %broadcast_in_dim3A_1 {strides = array<i32>} : memref<80x128xf32, #tpu.memory_space<vmem>>, vector<16xf32>,
      %swap3A_109 = arith.index_cast %scan3A_99 : i32 to index
      %swap3A_110 = arith.constant 48 : index
      %swap3A_111 = tpu.vector_load %arg13[%swap3A_109, %swap3A_110] {strides = array<i32>} : memref<80x128xf32, #tpu.memory_space<vmem>>, vector<16xf32>,
      tpu.vector_store %arg13[%swap3A_109, %swap3A_110], %broadcast_in_dim3A_1 {strides = array<i32>} : memref<80x128xf32, #tpu.memory_space<vmem>>, vector<16xf32>,
      %swap3A_112 = arith.index_cast %scan3A_99 : i32 to index
      %swap3A_113 = arith.constant 64 : index
      %swap3A_114 = tpu.vector_load %arg13[%swap3A_112, %swap3A_113] {strides = array<i32>} : memref<80x128xf32, #tpu.memory_space<vmem>>, vector<16xf32>,
      tpu.vector_store %arg13[%swap3A_112, %swap3A_113], %broadcast_in_dim3A_1 {strides = array<i32>} : memref<80x128xf32, #tpu.memory_space<vmem>>, vector<16xf32>,
      %swap3A_115 = arith.index_cast %scan3A_99 : i32 to index
      %swap3A_116 = arith.constant 80 : index
      %swap3A_117 = tpu.vector_load %arg13[%swap3A_115, %swap3A_116] {strides = array<i32>} : memref<80x128xf32, #tpu.memory_space<vmem>>, vector<16xf32>,
      tpu.vector_store %arg13[%swap3A_115, %swap3A_116], %broadcast_in_dim3A_1 {strides = array<i32>} : memref<80x128xf32, #tpu.memory_space<vmem>>, vector<16xf32>,
      %swap3A_118 = arith.index_cast %scan3A_99 : i32 to index
      %swap3A_119 = arith.constant 96 : index
      %swap3A_120 = tpu.vector_load %arg13[%swap3A_118, %swap3A_119] {strides = array<i32>} : memref<80x128xf32, #tpu.memory_space<vmem>>, vector<16xf32>,
      tpu.vector_store %arg13[%swap3A_118, %swap3A_119], %broadcast_in_dim3A_1 {strides = array<i32>} : memref<80x128xf32, #tpu.memory_space<vmem>>, vector<16xf32>,
      %swap3A_121 = arith.index_cast %scan3A_99 : i32 to index
      %swap3A_122 = arith.constant 112 : index
      %swap3A_123 = tpu.vector_load %arg13[%swap3A_121, %swap3A_122] {strides = array<i32>} : memref<80x128xf32, #tpu.memory_space<vmem>>, vector<16xf32>,
      tpu.vector_store %arg13[%swap3A_121, %swap3A_122], %broadcast_in_dim3A_1 {strides = array<i32>} : memref<80x128xf32, #tpu.memory_space<vmem>>, vector<16xf32>,
    }
    %scan3A_48 = arith.constant 80 : i32
    %barrier3A = arith.constant 0 : index
    tpu.barrier barrier_id(%barrier3A)
    "tpu.region"() ({
      %run_scoped3A = tpu.sem_alloc : memref<!tpu.dma_semaphore, #tpu.memory_space<semaphore_mem>>
      tpu.enqueue_dma source(%arg6 : memref<128xf32, #tpu.memory_space<hbm>>) target(%arg14 : memref<128xf32, #tpu.memory_space<vmem>>) target_semaphore(%run_scoped3A : memref<!tpu.dma_semaphore, #tpu.memory_space<semaphore_mem>>)
      tpu.wait_dma2 semaphore(%run_scoped3A : memref<!tpu.dma_semaphore, #tpu.memory_space<semaphore_mem>>) src(%arg6 : memref<128xf32, #tpu.memory_space<hbm>>) dst(%arg14 : memref<128xf32, #tpu.memory_space<vmem>>)
      tpu.yield
    }) : () -> ()
    %get3A = arith.constant 0 : index
    %get3A_49 = tpu.vector_load %arg14[%get3A] {strides = array<i32>} : memref<128xf32, #tpu.memory_space<vmem>>, vector<16xf32>,
    %get3A_50 = arith.constant 16 : index
    %get3A_51 = tpu.vector_load %arg14[%get3A_50] {strides = array<i32>} : memref<128xf32, #tpu.memory_space<vmem>>, vector<16xf32>,
    %get3A_52 = arith.constant 32 : index
    %get3A_53 = tpu.vector_load %arg14[%get3A_52] {strides = array<i32>} : memref<128xf32, #tpu.memory_space<vmem>>, vector<16xf32>,
    %get3A_54 = arith.constant 48 : index
    %get3A_55 = tpu.vector_load %arg14[%get3A_54] {strides = array<i32>} : memref<128xf32, #tpu.memory_space<vmem>>, vector<16xf32>,
    %get3A_56 = arith.constant 64 : index
    %get3A_57 = tpu.vector_load %arg14[%get3A_56] {strides = array<i32>} : memref<128xf32, #tpu.memory_space<vmem>>, vector<16xf32>,
    %get3A_58 = arith.constant 80 : index
    %get3A_59 = tpu.vector_load %arg14[%get3A_58] {strides = array<i32>} : memref<128xf32, #tpu.memory_space<vmem>>, vector<16xf32>,
    %get3A_60 = arith.constant 96 : index
    %get3A_61 = tpu.vector_load %arg14[%get3A_60] {strides = array<i32>} : memref<128xf32, #tpu.memory_space<vmem>>, vector<16xf32>,
    %get3A_62 = arith.constant 112 : index
    %get3A_63 = tpu.vector_load %arg14[%get3A_62] {strides = array<i32>} : memref<128xf32, #tpu.memory_space<vmem>>, vector<16xf32>,
    %scan3A_64 = arith.constant 0 : i32
    %scan3A_65 = arith.constant 0 : i32
    %scan3A_66 = arith.constant 125 : i32
    %scan3A_67 = arith.addi %scan3A_65, %scan3A_66 : i32
    %scan3A_68 = arith.constant 1 : i32
    scf.for %scan3A_99 = %scan3A_65 to %scan3A_67 step %scan3A_68  : i32 {
      %mul3A_100 = arith.constant 10000 : i32
      %mul3A_101 = arith.muli %add3A, %mul3A_100 : i32
      %mul3A_102 = arith.constant 80 : i32
      %mul3A_103 = arith.muli %scan3A_99, %mul3A_102 : i32
      %add3A_104 = arith.addi %mul3A_101, %mul3A_103 : i32
      "tpu.region"() ({
        %run_scoped3A = tpu.sem_alloc : memref<!tpu.dma_semaphore, #tpu.memory_space<semaphore_mem>>
        %dma_start3A_1028 = tpu.memref_slice %arg4[%add3A_104] : memref<320000xi32, #tpu.memory_space<hbm>> -> memref<80xi32, #tpu.memory_space<hbm>>
        %dma_start3A_1029 = tpu.memref_slice %arg4[%add3A_104] : memref<320000xi32, #tpu.memory_space<hbm>> -> memref<80xi32, #tpu.memory_space<hbm>>
        tpu.enqueue_dma source(%dma_start3A_1029 : memref<80xi32, #tpu.memory_space<hbm>>) target(%arg8 : memref<80xi32, #tpu.memory_space<vmem>>) target_semaphore(%run_scoped3A : memref<!tpu.dma_semaphore, #tpu.memory_space<semaphore_mem>>)
        %dma_wait3A_1030 = tpu.memref_slice %arg4[%add3A_104] : memref<320000xi32, #tpu.memory_space<hbm>> -> memref<80xi32, #tpu.memory_space<hbm>>
        %dma_wait3A_1031 = tpu.memref_slice %arg4[%add3A_104] : memref<320000xi32, #tpu.memory_space<hbm>> -> memref<80xi32, #tpu.memory_space<hbm>>
        tpu.wait_dma2 semaphore(%run_scoped3A : memref<!tpu.dma_semaphore, #tpu.memory_space<semaphore_mem>>) src(%dma_wait3A_1031 : memref<80xi32, #tpu.memory_space<hbm>>) dst(%arg8 : memref<80xi32, #tpu.memory_space<vmem>>)
        tpu.yield
      }) : () -> ()
      "tpu.region"() ({
        %run_scoped3A = tpu.sem_alloc : memref<!tpu.dma_semaphore, #tpu.memory_space<semaphore_mem>>
        %dma_start3A_1028 = tpu.memref_slice %arg5[%add3A_104] : memref<320000xi32, #tpu.memory_space<hbm>> -> memref<80xi32, #tpu.memory_space<hbm>>
        %dma_start3A_1029 = tpu.memref_slice %arg5[%add3A_104] : memref<320000xi32, #tpu.memory_space<hbm>> -> memref<80xi32, #tpu.memory_space<hbm>>
        tpu.enqueue_dma source(%dma_start3A_1029 : memref<80xi32, #tpu.memory_space<hbm>>) target(%arg9 : memref<80xi32, #tpu.memory_space<vmem>>) target_semaphore(%run_scoped3A : memref<!tpu.dma_semaphore, #tpu.memory_space<semaphore_mem>>)
        %dma_wait3A_1030 = tpu.memref_slice %arg5[%add3A_104] : memref<320000xi32, #tpu.memory_space<hbm>> -> memref<80xi32, #tpu.memory_space<hbm>>
        %dma_wait3A_1031 = tpu.memref_slice %arg5[%add3A_104] : memref<320000xi32, #tpu.memory_space<hbm>> -> memref<80xi32, #tpu.memory_space<hbm>>
        tpu.wait_dma2 semaphore(%run_scoped3A : memref<!tpu.dma_semaphore, #tpu.memory_space<semaphore_mem>>) src(%dma_wait3A_1031 : memref<80xi32, #tpu.memory_space<hbm>>) dst(%arg9 : memref<80xi32, #tpu.memory_space<vmem>>)
        tpu.yield
      }) : () -> ()
      %dma_start3A = arith.constant 0 : i32
      %dma_start3A_105 = arith.constant 0 : i32
      %dma_start3A_106 = tpu.memref_slice %arg2[%dma_start3A, %dma_start3A_105] : memref<10000x128xf32, #tpu.memory_space<hbm>> -> memref<10000x128xf32, #tpu.memory_space<hbm>>
      tpu.enqueue_indirect_dma source(%dma_start3A_106 : memref<10000x128xf32, #tpu.memory_space<hbm>>) target(%arg10 : memref<80x128xf32, #tpu.memory_space<vmem>>) offsets(%arg8 : memref<80xi32, #tpu.memory_space<vmem>>) semaphore(%arg17 : memref<!tpu.dma_semaphore, #tpu.memory_space<semaphore_mem>>)
      %dma_wait3A = arith.constant 0 : i32
      %dma_wait3A_107 = arith.constant 0 : i32
      %dma_wait3A_108 = tpu.memref_slice %arg2[%dma_wait3A, %dma_wait3A_107] : memref<10000x128xf32, #tpu.memory_space<hbm>> -> memref<10000x128xf32, #tpu.memory_space<hbm>>
      tpu.wait_indirect_dma semaphore(%arg17 : memref<!tpu.dma_semaphore, #tpu.memory_space<semaphore_mem>>) src(%dma_wait3A_108 : memref<10000x128xf32, #tpu.memory_space<hbm>>) dst(%arg10 : memref<80x128xf32, #tpu.memory_space<vmem>>)
      %dma_start3A_109 = arith.constant 0 : i32
      %dma_start3A_110 = arith.constant 0 : i32
      %dma_start3A_111 = tpu.memref_slice %arg3[%dma_start3A_109, %dma_start3A_110] : memref<10000x128xf32, #tpu.memory_space<hbm>> -> memref<10000x128xf32, #tpu.memory_space<hbm>>
      tpu.enqueue_indirect_dma source(%dma_start3A_111 : memref<10000x128xf32, #tpu.memory_space<hbm>>) target(%arg11 : memref<80x128xf32, #tpu.memory_space<vmem>>) offsets(%arg9 : memref<80xi32, #tpu.memory_space<vmem>>) semaphore(%arg17 : memref<!tpu.dma_semaphore, #tpu.memory_space<semaphore_mem>>)
      %dma_wait3A_112 = arith.constant 0 : i32
      %dma_wait3A_113 = arith.constant 0 : i32
      %dma_wait3A_114 = tpu.memref_slice %arg3[%dma_wait3A_112, %dma_wait3A_113] : memref<10000x128xf32, #tpu.memory_space<hbm>> -> memref<10000x128xf32, #tpu.memory_space<hbm>>
      tpu.wait_indirect_dma semaphore(%arg17 : memref<!tpu.dma_semaphore, #tpu.memory_space<semaphore_mem>>) src(%dma_wait3A_114 : memref<10000x128xf32, #tpu.memory_space<hbm>>) dst(%arg11 : memref<80x128xf32, #tpu.memory_space<vmem>>)
      %scan3A_115 = arith.constant 0 : i32
      %scan3A_116 = arith.constant 0 : i32
      %scan3A_117 = arith.constant 80 : i32
      %scan3A_118 = arith.addi %scan3A_116, %scan3A_117 : i32
      %scan3A_119 = arith.constant 1 : i32
      scf.for %scan3A_1028 = %scan3A_116 to %scan3A_118 step %scan3A_119  : i32 {
        %get3A_1029 = arith.index_cast %scan3A_1028 : i32 to index
        %get3A_1030 = arith.constant 0 : index
        %get3A_1031 = tpu.vector_load %arg10[%get3A_1029, %get3A_1030] {strides = array<i32>} : memref<80x128xf32, #tpu.memory_space<vmem>>, vector<16xf32>,
        %get3A_1032 = arith.index_cast %scan3A_1028 : i32 to index
        %get3A_1033 = arith.constant 0 : index
        %get3A_1034 = tpu.vector_load %arg11[%get3A_1032, %get3A_1033] {strides = array<i32>} : memref<80x128xf32, #tpu.memory_space<vmem>>, vector<16xf32>,
        %add3A_1035 = arith.addf %get3A_1031, %get3A_1034 : vector<16xf32>
        %mul3A_1036 = arith.constant 2.000000e-01 : f32
        %mul3A_1037 = vector.broadcast %mul3A_1036 : f32 to vector<16xf32>
        %mul3A_1038 = arith.mulf %mul3A_1037, %add3A_1035 : vector<16xf32>
        %max3A_1039 = arith.maximumf %add3A_1035, %mul3A_1038 : vector<16xf32>
        %mul3A_1040 = arith.mulf %max3A_1039, %get3A_49 : vector<16xf32>
        %add3A_1041 = arith.addf %broadcast_in_dim3A_1, %mul3A_1040 : vector<16xf32>
        %get3A_1042 = arith.index_cast %scan3A_1028 : i32 to index
        %get3A_1043 = arith.constant 16 : index
        %get3A_1044 = tpu.vector_load %arg10[%get3A_1042, %get3A_1043] {strides = array<i32>} : memref<80x128xf32, #tpu.memory_space<vmem>>, vector<16xf32>,
        %get3A_1045 = arith.index_cast %scan3A_1028 : i32 to index
        %get3A_1046 = arith.constant 16 : index
        %get3A_1047 = tpu.vector_load %arg11[%get3A_1045, %get3A_1046] {strides = array<i32>} : memref<80x128xf32, #tpu.memory_space<vmem>>, vector<16xf32>,
        %add3A_1048 = arith.addf %get3A_1044, %get3A_1047 : vector<16xf32>
        %mul3A_1049 = arith.constant 2.000000e-01 : f32
        %mul3A_1050 = vector.broadcast %mul3A_1049 : f32 to vector<16xf32>
        %mul3A_1051 = arith.mulf %mul3A_1050, %add3A_1048 : vector<16xf32>
        %max3A_1052 = arith.maximumf %add3A_1048, %mul3A_1051 : vector<16xf32>
        %mul3A_1053 = arith.mulf %max3A_1052, %get3A_51 : vector<16xf32>
        %add3A_1054 = arith.addf %add3A_1041, %mul3A_1053 : vector<16xf32>
        %get3A_1055 = arith.index_cast %scan3A_1028 : i32 to index
        %get3A_1056 = arith.constant 32 : index
        %get3A_1057 = tpu.vector_load %arg10[%get3A_1055, %get3A_1056] {strides = array<i32>} : memref<80x128xf32, #tpu.memory_space<vmem>>, vector<16xf32>,
        %get3A_1058 = arith.index_cast %scan3A_1028 : i32 to index
        %get3A_1059 = arith.constant 32 : index
        %get3A_1060 = tpu.vector_load %arg11[%get3A_1058, %get3A_1059] {strides = array<i32>} : memref<80x128xf32, #tpu.memory_space<vmem>>, vector<16xf32>,
        %add3A_1061 = arith.addf %get3A_1057, %get3A_1060 : vector<16xf32>
        %mul3A_1062 = arith.constant 2.000000e-01 : f32
        %mul3A_1063 = vector.broadcast %mul3A_1062 : f32 to vector<16xf32>
        %mul3A_1064 = arith.mulf %mul3A_1063, %add3A_1061 : vector<16xf32>
        %max3A_1065 = arith.maximumf %add3A_1061, %mul3A_1064 : vector<16xf32>
        %mul3A_1066 = arith.mulf %max3A_1065, %get3A_53 : vector<16xf32>
        %add3A_1067 = arith.addf %add3A_1054, %mul3A_1066 : vector<16xf32>
        %get3A_1068 = arith.index_cast %scan3A_1028 : i32 to index
        %get3A_1069 = arith.constant 48 : index
        %get3A_1070 = tpu.vector_load %arg10[%get3A_1068, %get3A_1069] {strides = array<i32>} : memref<80x128xf32, #tpu.memory_space<vmem>>, vector<16xf32>,
        %get3A_1071 = arith.index_cast %scan3A_1028 : i32 to index
        %get3A_1072 = arith.constant 48 : index
        %get3A_1073 = tpu.vector_load %arg11[%get3A_1071, %get3A_1072] {strides = array<i32>} : memref<80x128xf32, #tpu.memory_space<vmem>>, vector<16xf32>,
        %add3A_1074 = arith.addf %get3A_1070, %get3A_1073 : vector<16xf32>
        %mul3A_1075 = arith.constant 2.000000e-01 : f32
        %mul3A_1076 = vector.broadcast %mul3A_1075 : f32 to vector<16xf32>
        %mul3A_1077 = arith.mulf %mul3A_1076, %add3A_1074 : vector<16xf32>
        %max3A_1078 = arith.maximumf %add3A_1074, %mul3A_1077 : vector<16xf32>
        %mul3A_1079 = arith.mulf %max3A_1078, %get3A_55 : vector<16xf32>
        %add3A_1080 = arith.addf %add3A_1067, %mul3A_1079 : vector<16xf32>
        %get3A_1081 = arith.index_cast %scan3A_1028 : i32 to index
        %get3A_1082 = arith.constant 64 : index
        %get3A_1083 = tpu.vector_load %arg10[%get3A_1081, %get3A_1082] {strides = array<i32>} : memref<80x128xf32, #tpu.memory_space<vmem>>, vector<16xf32>,
        %get3A_1084 = arith.index_cast %scan3A_1028 : i32 to index
        %get3A_1085 = arith.constant 64 : index
        %get3A_1086 = tpu.vector_load %arg11[%get3A_1084, %get3A_1085] {strides = array<i32>} : memref<80x128xf32, #tpu.memory_space<vmem>>, vector<16xf32>,
        %add3A_1087 = arith.addf %get3A_1083, %get3A_1086 : vector<16xf32>
        %mul3A_1088 = arith.constant 2.000000e-01 : f32
        %mul3A_1089 = vector.broadcast %mul3A_1088 : f32 to vector<16xf32>
        %mul3A_1090 = arith.mulf %mul3A_1089, %add3A_1087 : vector<16xf32>
        %max3A_1091 = arith.maximumf %add3A_1087, %mul3A_1090 : vector<16xf32>
        %mul3A_1092 = arith.mulf %max3A_1091, %get3A_57 : vector<16xf32>
        %add3A_1093 = arith.addf %add3A_1080, %mul3A_1092 : vector<16xf32>
        %get3A_1094 = arith.index_cast %scan3A_1028 : i32 to index
        %get3A_1095 = arith.constant 80 : index
        %get3A_1096 = tpu.vector_load %arg10[%get3A_1094, %get3A_1095] {strides = array<i32>} : memref<80x128xf32, #tpu.memory_space<vmem>>, vector<16xf32>,
        %get3A_1097 = arith.index_cast %scan3A_1028 : i32 to index
        %get3A_1098 = arith.constant 80 : index
        %get3A_1099 = tpu.vector_load %arg11[%get3A_1097, %get3A_1098] {strides = array<i32>} : memref<80x128xf32, #tpu.memory_space<vmem>>, vector<16xf32>,
        %add3A_1100 = arith.addf %get3A_1096, %get3A_1099 : vector<16xf32>
        %mul3A_1101 = arith.constant 2.000000e-01 : f32
        %mul3A_1102 = vector.broadcast %mul3A_1101 : f32 to vector<16xf32>
        %mul3A_1103 = arith.mulf %mul3A_1102, %add3A_1100 : vector<16xf32>
        %max3A_1104 = arith.maximumf %add3A_1100, %mul3A_1103 : vector<16xf32>
        %mul3A_1105 = arith.mulf %max3A_1104, %get3A_59 : vector<16xf32>
        %add3A_1106 = arith.addf %add3A_1093, %mul3A_1105 : vector<16xf32>
        %get3A_1107 = arith.index_cast %scan3A_1028 : i32 to index
        %get3A_1108 = arith.constant 96 : index
        %get3A_1109 = tpu.vector_load %arg10[%get3A_1107, %get3A_1108] {strides = array<i32>} : memref<80x128xf32, #tpu.memory_space<vmem>>, vector<16xf32>,
        %get3A_1110 = arith.index_cast %scan3A_1028 : i32 to index
        %get3A_1111 = arith.constant 96 : index
        %get3A_1112 = tpu.vector_load %arg11[%get3A_1110, %get3A_1111] {strides = array<i32>} : memref<80x128xf32, #tpu.memory_space<vmem>>, vector<16xf32>,
        %add3A_1113 = arith.addf %get3A_1109, %get3A_1112 : vector<16xf32>
        %mul3A_1114 = arith.constant 2.000000e-01 : f32
        %mul3A_1115 = vector.broadcast %mul3A_1114 : f32 to vector<16xf32>
        %mul3A_1116 = arith.mulf %mul3A_1115, %add3A_1113 : vector<16xf32>
        %max3A_1117 = arith.maximumf %add3A_1113, %mul3A_1116 : vector<16xf32>
        %mul3A_1118 = arith.mulf %max3A_1117, %get3A_61 : vector<16xf32>
        %add3A_1119 = arith.addf %add3A_1106, %mul3A_1118 : vector<16xf32>
        %get3A_1120 = arith.index_cast %scan3A_1028 : i32 to index
        %get3A_1121 = arith.constant 112 : index
        %get3A_1122 = tpu.vector_load %arg10[%get3A_1120, %get3A_1121] {strides = array<i32>} : memref<80x128xf32, #tpu.memory_space<vmem>>, vector<16xf32>,
        %get3A_1123 = arith.index_cast %scan3A_1028 : i32 to index
        %get3A_1124 = arith.constant 112 : index
        %get3A_1125 = tpu.vector_load %arg11[%get3A_1123, %get3A_1124] {strides = array<i32>} : memref<80x128xf32, #tpu.memory_space<vmem>>, vector<16xf32>,
        %add3A_1126 = arith.addf %get3A_1122, %get3A_1125 : vector<16xf32>
        %mul3A_1127 = arith.constant 2.000000e-01 : f32
        %mul3A_1128 = vector.broadcast %mul3A_1127 : f32 to vector<16xf32>
        %mul3A_1129 = arith.mulf %mul3A_1128, %add3A_1126 : vector<16xf32>
        %max3A_1130 = arith.maximumf %add3A_1126, %mul3A_1129 : vector<16xf32>
        %mul3A_1131 = arith.mulf %max3A_1130, %get3A_63 : vector<16xf32>
        %add3A_1132 = arith.addf %add3A_1119, %mul3A_1131 : vector<16xf32>
        %xor3A = arith.constant 8 : i32
        %xor3A_1133 = vector.broadcast %xor3A : i32 to vector<16xi32>
        %xor3A_1134 = arith.xori %iota3A, %xor3A_1133 : vector<16xi32>
        %lt3A_1135 = arith.constant 0 : i32
        %lt3A_1136 = vector.broadcast %lt3A_1135 : i32 to vector<16xi32>
        %lt3A_1137 = arith.cmpi slt, %xor3A_1134, %lt3A_1136 : vector<16xi32>
        %add3A_1138 = arith.constant 16 : i32
        %add3A_1139 = vector.broadcast %add3A_1138 : i32 to vector<16xi32>
        %add3A_1140 = arith.addi %xor3A_1134, %add3A_1139 : vector<16xi32>
        %select_n3A_1141 = arith.select %lt3A_1137, %add3A_1140, %xor3A_1134 : vector<16xi1>, vector<16xi32>
        %broadcast_in_dim3A_1142 = vector.shape_cast %select_n3A_1141 : vector<16xi32> to vector<16x1xi32>
        %gather3A_1143 = vector.shape_cast %broadcast_in_dim3A_1142 : vector<16x1xi32> to vector<16xi32>
        %gather3A_1144 = tpu.dynamic_gather %add3A_1132[%gather3A_1143] in [0] : vector<16xf32>, vector<16xi32> -> vector<16xf32>
        %add3A_1145 = arith.addf %add3A_1132, %gather3A_1144 : vector<16xf32>
        %xor3A_1146 = arith.constant 4 : i32
        %xor3A_1147 = vector.broadcast %xor3A_1146 : i32 to vector<16xi32>
        %xor3A_1148 = arith.xori %iota3A, %xor3A_1147 : vector<16xi32>
        %lt3A_1149 = arith.constant 0 : i32
        %lt3A_1150 = vector.broadcast %lt3A_1149 : i32 to vector<16xi32>
        %lt3A_1151 = arith.cmpi slt, %xor3A_1148, %lt3A_1150 : vector<16xi32>
        %add3A_1152 = arith.constant 16 : i32
        %add3A_1153 = vector.broadcast %add3A_1152 : i32 to vector<16xi32>
        %add3A_1154 = arith.addi %xor3A_1148, %add3A_1153 : vector<16xi32>
        %select_n3A_1155 = arith.select %lt3A_1151, %add3A_1154, %xor3A_1148 : vector<16xi1>, vector<16xi32>
        %broadcast_in_dim3A_1156 = vector.shape_cast %select_n3A_1155 : vector<16xi32> to vector<16x1xi32>
        %gather3A_1157 = vector.shape_cast %broadcast_in_dim3A_1156 : vector<16x1xi32> to vector<16xi32>
        %gather3A_1158 = tpu.dynamic_gather %add3A_1145[%gather3A_1157] in [0] : vector<16xf32>, vector<16xi32> -> vector<16xf32>
        %add3A_1159 = arith.addf %add3A_1145, %gather3A_1158 : vector<16xf32>
        %xor3A_1160 = arith.constant 2 : i32
        %xor3A_1161 = vector.broadcast %xor3A_1160 : i32 to vector<16xi32>
        %xor3A_1162 = arith.xori %iota3A, %xor3A_1161 : vector<16xi32>
        %lt3A_1163 = arith.constant 0 : i32
        %lt3A_1164 = vector.broadcast %lt3A_1163 : i32 to vector<16xi32>
        %lt3A_1165 = arith.cmpi slt, %xor3A_1162, %lt3A_1164 : vector<16xi32>
        %add3A_1166 = arith.constant 16 : i32
        %add3A_1167 = vector.broadcast %add3A_1166 : i32 to vector<16xi32>
        %add3A_1168 = arith.addi %xor3A_1162, %add3A_1167 : vector<16xi32>
        %select_n3A_1169 = arith.select %lt3A_1165, %add3A_1168, %xor3A_1162 : vector<16xi1>, vector<16xi32>
        %broadcast_in_dim3A_1170 = vector.shape_cast %select_n3A_1169 : vector<16xi32> to vector<16x1xi32>
        %gather3A_1171 = vector.shape_cast %broadcast_in_dim3A_1170 : vector<16x1xi32> to vector<16xi32>
        %gather3A_1172 = tpu.dynamic_gather %add3A_1159[%gather3A_1171] in [0] : vector<16xf32>, vector<16xi32> -> vector<16xf32>
        %add3A_1173 = arith.addf %add3A_1159, %gather3A_1172 : vector<16xf32>
        %xor3A_1174 = arith.constant 1 : i32
        %xor3A_1175 = vector.broadcast %xor3A_1174 : i32 to vector<16xi32>
        %xor3A_1176 = arith.xori %iota3A, %xor3A_1175 : vector<16xi32>
        %lt3A_1177 = arith.constant 0 : i32
        %lt3A_1178 = vector.broadcast %lt3A_1177 : i32 to vector<16xi32>
        %lt3A_1179 = arith.cmpi slt, %xor3A_1176, %lt3A_1178 : vector<16xi32>
        %add3A_1180 = arith.constant 16 : i32
        %add3A_1181 = vector.broadcast %add3A_1180 : i32 to vector<16xi32>
        %add3A_1182 = arith.addi %xor3A_1176, %add3A_1181 : vector<16xi32>
        %select_n3A_1183 = arith.select %lt3A_1179, %add3A_1182, %xor3A_1176 : vector<16xi1>, vector<16xi32>
        %broadcast_in_dim3A_1184 = vector.shape_cast %select_n3A_1183 : vector<16xi32> to vector<16x1xi32>
        %gather3A_1185 = vector.shape_cast %broadcast_in_dim3A_1184 : vector<16x1xi32> to vector<16xi32>
        %gather3A_1186 = tpu.dynamic_gather %add3A_1173[%gather3A_1185] in [0] : vector<16xf32>, vector<16xi32> -> vector<16xf32>
        %add3A_1187 = arith.addf %add3A_1173, %gather3A_1186 : vector<16xf32>
        %exp3A = math.exp %add3A_1187 : vector<16xf32>
        %get3A_1188 = arith.index_cast %scan3A_1028 : i32 to index
        %get3A_1189 = arith.constant 0 : index
        %get3A_1190 = tpu.vector_load %arg10[%get3A_1188, %get3A_1189] {strides = array<i32>} : memref<80x128xf32, #tpu.memory_space<vmem>>, vector<16xf32>,
        %mul3A_1191 = arith.mulf %get3A_1190, %exp3A : vector<16xf32>
        %swap3A_1192 = arith.index_cast %scan3A_1028 : i32 to index
        %swap3A_1193 = arith.constant 0 : index
        %swap3A_1194 = tpu.vector_load %arg10[%swap3A_1192, %swap3A_1193] {strides = array<i32>} : memref<80x128xf32, #tpu.memory_space<vmem>>, vector<16xf32>,
        tpu.vector_store %arg10[%swap3A_1192, %swap3A_1193], %mul3A_1191 {strides = array<i32>} : memref<80x128xf32, #tpu.memory_space<vmem>>, vector<16xf32>,
        %get3A_1195 = arith.index_cast %scan3A_1028 : i32 to index
        %get3A_1196 = arith.constant 16 : index
        %get3A_1197 = tpu.vector_load %arg10[%get3A_1195, %get3A_1196] {strides = array<i32>} : memref<80x128xf32, #tpu.memory_space<vmem>>, vector<16xf32>,
        %mul3A_1198 = arith.mulf %get3A_1197, %exp3A : vector<16xf32>
        %swap3A_1199 = arith.index_cast %scan3A_1028 : i32 to index
        %swap3A_1200 = arith.constant 16 : index
        %swap3A_1201 = tpu.vector_load %arg10[%swap3A_1199, %swap3A_1200] {strides = array<i32>} : memref<80x128xf32, #tpu.memory_space<vmem>>, vector<16xf32>,
        tpu.vector_store %arg10[%swap3A_1199, %swap3A_1200], %mul3A_1198 {strides = array<i32>} : memref<80x128xf32, #tpu.memory_space<vmem>>, vector<16xf32>,
        %get3A_1202 = arith.index_cast %scan3A_1028 : i32 to index
        %get3A_1203 = arith.constant 32 : index
        %get3A_1204 = tpu.vector_load %arg10[%get3A_1202, %get3A_1203] {strides = array<i32>} : memref<80x128xf32, #tpu.memory_space<vmem>>, vector<16xf32>,
        %mul3A_1205 = arith.mulf %get3A_1204, %exp3A : vector<16xf32>
        %swap3A_1206 = arith.index_cast %scan3A_1028 : i32 to index
        %swap3A_1207 = arith.constant 32 : index
        %swap3A_1208 = tpu.vector_load %arg10[%swap3A_1206, %swap3A_1207] {strides = array<i32>} : memref<80x128xf32, #tpu.memory_space<vmem>>, vector<16xf32>,
        tpu.vector_store %arg10[%swap3A_1206, %swap3A_1207], %mul3A_1205 {strides = array<i32>} : memref<80x128xf32, #tpu.memory_space<vmem>>, vector<16xf32>,
        %get3A_1209 = arith.index_cast %scan3A_1028 : i32 to index
        %get3A_1210 = arith.constant 48 : index
        %get3A_1211 = tpu.vector_load %arg10[%get3A_1209, %get3A_1210] {strides = array<i32>} : memref<80x128xf32, #tpu.memory_space<vmem>>, vector<16xf32>,
        %mul3A_1212 = arith.mulf %get3A_1211, %exp3A : vector<16xf32>
        %swap3A_1213 = arith.index_cast %scan3A_1028 : i32 to index
        %swap3A_1214 = arith.constant 48 : index
        %swap3A_1215 = tpu.vector_load %arg10[%swap3A_1213, %swap3A_1214] {strides = array<i32>} : memref<80x128xf32, #tpu.memory_space<vmem>>, vector<16xf32>,
        tpu.vector_store %arg10[%swap3A_1213, %swap3A_1214], %mul3A_1212 {strides = array<i32>} : memref<80x128xf32, #tpu.memory_space<vmem>>, vector<16xf32>,
        %get3A_1216 = arith.index_cast %scan3A_1028 : i32 to index
        %get3A_1217 = arith.constant 64 : index
        %get3A_1218 = tpu.vector_load %arg10[%get3A_1216, %get3A_1217] {strides = array<i32>} : memref<80x128xf32, #tpu.memory_space<vmem>>, vector<16xf32>,
        %mul3A_1219 = arith.mulf %get3A_1218, %exp3A : vector<16xf32>
        %swap3A_1220 = arith.index_cast %scan3A_1028 : i32 to index
        %swap3A_1221 = arith.constant 64 : index
        %swap3A_1222 = tpu.vector_load %arg10[%swap3A_1220, %swap3A_1221] {strides = array<i32>} : memref<80x128xf32, #tpu.memory_space<vmem>>, vector<16xf32>,
        tpu.vector_store %arg10[%swap3A_1220, %swap3A_1221], %mul3A_1219 {strides = array<i32>} : memref<80x128xf32, #tpu.memory_space<vmem>>, vector<16xf32>,
        %get3A_1223 = arith.index_cast %scan3A_1028 : i32 to index
        %get3A_1224 = arith.constant 80 : index
        %get3A_1225 = tpu.vector_load %arg10[%get3A_1223, %get3A_1224] {strides = array<i32>} : memref<80x128xf32, #tpu.memory_space<vmem>>, vector<16xf32>,
        %mul3A_1226 = arith.mulf %get3A_1225, %exp3A : vector<16xf32>
        %swap3A_1227 = arith.index_cast %scan3A_1028 : i32 to index
        %swap3A_1228 = arith.constant 80 : index
        %swap3A_1229 = tpu.vector_load %arg10[%swap3A_1227, %swap3A_1228] {strides = array<i32>} : memref<80x128xf32, #tpu.memory_space<vmem>>, vector<16xf32>,
        tpu.vector_store %arg10[%swap3A_1227, %swap3A_1228], %mul3A_1226 {strides = array<i32>} : memref<80x128xf32, #tpu.memory_space<vmem>>, vector<16xf32>,
        %get3A_1230 = arith.index_cast %scan3A_1028 : i32 to index
        %get3A_1231 = arith.constant 96 : index
        %get3A_1232 = tpu.vector_load %arg10[%get3A_1230, %get3A_1231] {strides = array<i32>} : memref<80x128xf32, #tpu.memory_space<vmem>>, vector<16xf32>,
        %mul3A_1233 = arith.mulf %get3A_1232, %exp3A : vector<16xf32>
        %swap3A_1234 = arith.index_cast %scan3A_1028 : i32 to index
        %swap3A_1235 = arith.constant 96 : index
        %swap3A_1236 = tpu.vector_load %arg10[%swap3A_1234, %swap3A_1235] {strides = array<i32>} : memref<80x128xf32, #tpu.memory_space<vmem>>, vector<16xf32>,
        tpu.vector_store %arg10[%swap3A_1234, %swap3A_1235], %mul3A_1233 {strides = array<i32>} : memref<80x128xf32, #tpu.memory_space<vmem>>, vector<16xf32>,
        %get3A_1237 = arith.index_cast %scan3A_1028 : i32 to index
        %get3A_1238 = arith.constant 112 : index
        %get3A_1239 = tpu.vector_load %arg10[%get3A_1237, %get3A_1238] {strides = array<i32>} : memref<80x128xf32, #tpu.memory_space<vmem>>, vector<16xf32>,
        %mul3A_1240 = arith.mulf %get3A_1239, %exp3A : vector<16xf32>
        %swap3A_1241 = arith.index_cast %scan3A_1028 : i32 to index
        %swap3A_1242 = arith.constant 112 : index
        %swap3A_1243 = tpu.vector_load %arg10[%swap3A_1241, %swap3A_1242] {strides = array<i32>} : memref<80x128xf32, #tpu.memory_space<vmem>>, vector<16xf32>,
        tpu.vector_store %arg10[%swap3A_1241, %swap3A_1242], %mul3A_1240 {strides = array<i32>} : memref<80x128xf32, #tpu.memory_space<vmem>>, vector<16xf32>,
        %mul3A_1244 = arith.constant 16 : i32
        %mul3A_1245 = arith.muli %scan3A_1028, %mul3A_1244 : i32
        %swap3A_1246 = arith.index_cast %mul3A_1245 : i32 to index
        %swap3A_1247 = tpu.vector_load %arg12[%swap3A_1246] {strides = array<i32>} : memref<1280xf32, #tpu.memory_space<vmem>>, vector<16xf32>,
        tpu.vector_store %arg12[%swap3A_1246], %exp3A {strides = array<i32>} : memref<1280xf32, #tpu.memory_space<vmem>>, vector<16xf32>,
      }
      %scan3A_120 = arith.constant 80 : i32
      "tpu.region"() ({
        %run_scoped3A = tpu.sem_alloc : memref<!tpu.dma_semaphore, #tpu.memory_space<semaphore_mem>>
        %dma_start3A_1028 = arith.constant 0 : i32
        %dma_start3A_1029 = arith.constant 0 : i32
        %dma_start3A_1030 = tpu.memref_slice %arg16[%dma_start3A_1028, %dma_start3A_1029] : memref<10368x128xf32, #tpu.memory_space<vmem_shared>> -> memref<10368x128xf32, #tpu.memory_space<vmem_shared>>
        tpu.enqueue_indirect_dma source(%arg10 : memref<80x128xf32, #tpu.memory_space<vmem>>) target(%dma_start3A_1030 : memref<10368x128xf32, #tpu.memory_space<vmem_shared>>) offsets(%arg9 : memref<80xi32, #tpu.memory_space<vmem>>) semaphore(%run_scoped3A : memref<!tpu.dma_semaphore, #tpu.memory_space<semaphore_mem>>) {add = true}
        %dma_wait3A_1031 = arith.constant 0 : i32
        %dma_wait3A_1032 = arith.constant 0 : i32
        %dma_wait3A_1033 = tpu.memref_slice %arg16[%dma_wait3A_1031, %dma_wait3A_1032] : memref<10368x128xf32, #tpu.memory_space<vmem_shared>> -> memref<10368x128xf32, #tpu.memory_space<vmem_shared>>
        tpu.wait_indirect_dma semaphore(%run_scoped3A : memref<!tpu.dma_semaphore, #tpu.memory_space<semaphore_mem>>) src(%arg10 : memref<80x128xf32, #tpu.memory_space<vmem>>) dst(%dma_wait3A_1033 : memref<10368x128xf32, #tpu.memory_space<vmem_shared>>)
        tpu.yield
      }) : () -> ()
      %get3A_121 = arith.constant 0 : index
      %get3A_122 = tpu.vector_load %arg9[%get3A_121] {strides = array<i32>} : memref<80xi32, #tpu.memory_space<vmem>>, vector<16xi32>,
      %add3A_123 = arith.constant 0 : i32
      %add3A_124 = vector.broadcast %add3A_123 : i32 to vector<16xi32>
      %add3A_125 = arith.addi %iota3A, %add3A_124 : vector<16xi32>
      %mul3A_126 = arith.constant 16 : i32
      %mul3A_127 = vector.broadcast %mul3A_126 : i32 to vector<16xi32>
      %mul3A_128 = arith.muli %add3A_125, %mul3A_127 : vector<16xi32>
      %gather3A = tpu.vector_load_idx %arg12[%mul3A_128] : memref<1280xf32, #tpu.memory_space<vmem>>[vector<16xi32>], vector<16xf32>,
      %masked_sort3A = arith.constant dense<true> : vector<16xi1>
      %masked_sort3A_129 = arith.constant -2147483648 : i32
      %masked_sort3A_130 = vector.broadcast %masked_sort3A_129 : i32 to vector<16xi32>
      %masked_sort3A_131 = arith.xori %get3A_122, %masked_sort3A_130 : vector<16xi32>
      %masked_sort3A_132, %masked_sort3A_133, %masked_sort3A_134 = tpu.sort %masked_sort3A_131, %gather3A masked %masked_sort3A : (vector<16xi32>, vector<16xf32>, vector<16xi1>) -> (vector<16xi1>, vector<16xi32>, vector<16xf32>)
      %masked_sort3A_135 = arith.xori %masked_sort3A_133, %masked_sort3A_130 : vector<16xi32>
      %add3A_136 = arith.constant 1 : i32
      %add3A_137 = vector.broadcast %add3A_136 : i32 to vector<16xi32>
      %add3A_138 = arith.addi %iota3A, %add3A_137 : vector<16xi32>
      %min3A = arith.constant 15 : i32
      %min3A_139 = vector.broadcast %min3A : i32 to vector<16xi32>
      %min3A_140 = arith.minsi %add3A_138, %min3A_139 : vector<16xi32>
      %lt3A = arith.constant 0 : i32
      %lt3A_141 = vector.broadcast %lt3A : i32 to vector<16xi32>
      %lt3A_142 = arith.cmpi slt, %min3A_140, %lt3A_141 : vector<16xi32>
      %add3A_143 = arith.constant 16 : i32
      %add3A_144 = vector.broadcast %add3A_143 : i32 to vector<16xi32>
      %add3A_145 = arith.addi %min3A_140, %add3A_144 : vector<16xi32>
      %select_n3A = arith.select %lt3A_142, %add3A_145, %min3A_140 : vector<16xi1>, vector<16xi32>
      %broadcast_in_dim3A_146 = vector.shape_cast %select_n3A : vector<16xi32> to vector<16x1xi32>
      %gather3A_147 = vector.shape_cast %broadcast_in_dim3A_146 : vector<16x1xi32> to vector<16xi32>
      %gather3A_148 = tpu.dynamic_gather %masked_sort3A_135[%gather3A_147] in [0] : vector<16xi32>, vector<16xi32> -> vector<16xi32>
      %lt3A_149 = arith.constant 0 : i32
      %lt3A_150 = vector.broadcast %lt3A_149 : i32 to vector<16xi32>
      %lt3A_151 = arith.cmpi slt, %min3A_140, %lt3A_150 : vector<16xi32>
      %add3A_152 = arith.constant 16 : i32
      %add3A_153 = vector.broadcast %add3A_152 : i32 to vector<16xi32>
      %add3A_154 = arith.addi %min3A_140, %add3A_153 : vector<16xi32>
      %select_n3A_155 = arith.select %lt3A_151, %add3A_154, %min3A_140 : vector<16xi1>, vector<16xi32>
      %broadcast_in_dim3A_156 = vector.shape_cast %select_n3A_155 : vector<16xi32> to vector<16x1xi32>
      %gather3A_157 = vector.shape_cast %broadcast_in_dim3A_156 : vector<16x1xi32> to vector<16xi32>
      %gather3A_158 = tpu.dynamic_gather %masked_sort3A_134[%gather3A_157] in [0] : vector<16xf32>, vector<16xi32> -> vector<16xf32>
      %eq3A = arith.cmpi eq, %gather3A_148, %masked_sort3A_135 : vector<16xi32>
      %lt3A_159 = arith.constant 15 : i32
      %lt3A_160 = vector.broadcast %lt3A_159 : i32 to vector<16xi32>
      %lt3A_161 = arith.cmpi slt, %iota3A, %lt3A_160 : vector<16xi32>
      %and3A = arith.andi %eq3A, %lt3A_161 : vector<16xi1>
      %jit3A = arith.constant 0.000000e+00 : f32
      %broadcast_in_dim3A_162 = vector.broadcast %jit3A : f32 to vector<16xf32>
      %select_n3A_163 = arith.select %and3A, %gather3A_158, %broadcast_in_dim3A_162 : vector<16xi1>, vector<16xf32>
      %add3A_164 = arith.addf %masked_sort3A_134, %select_n3A_163 : vector<16xf32>
      %add3A_165 = arith.constant 2 : i32
      %add3A_166 = vector.broadcast %add3A_165 : i32 to vector<16xi32>
      %add3A_167 = arith.addi %iota3A, %add3A_166 : vector<16xi32>
      %min3A_168 = arith.constant 15 : i32
      %min3A_169 = vector.broadcast %min3A_168 : i32 to vector<16xi32>
      %min3A_170 = arith.minsi %add3A_167, %min3A_169 : vector<16xi32>
      %lt3A_171 = arith.constant 0 : i32
      %lt3A_172 = vector.broadcast %lt3A_171 : i32 to vector<16xi32>
      %lt3A_173 = arith.cmpi slt, %min3A_170, %lt3A_172 : vector<16xi32>
      %add3A_174 = arith.constant 16 : i32
      %add3A_175 = vector.broadcast %add3A_174 : i32 to vector<16xi32>
      %add3A_176 = arith.addi %min3A_170, %add3A_175 : vector<16xi32>
      %select_n3A_177 = arith.select %lt3A_173, %add3A_176, %min3A_170 : vector<16xi1>, vector<16xi32>
      %broadcast_in_dim3A_178 = vector.shape_cast %select_n3A_177 : vector<16xi32> to vector<16x1xi32>
      %gather3A_179 = vector.shape_cast %broadcast_in_dim3A_178 : vector<16x1xi32> to vector<16xi32>
      %gather3A_180 = tpu.dynamic_gather %masked_sort3A_135[%gather3A_179] in [0] : vector<16xi32>, vector<16xi32> -> vector<16xi32>
      %lt3A_181 = arith.constant 0 : i32
      %lt3A_182 = vector.broadcast %lt3A_181 : i32 to vector<16xi32>
      %lt3A_183 = arith.cmpi slt, %min3A_170, %lt3A_182 : vector<16xi32>
      %add3A_184 = arith.constant 16 : i32
      %add3A_185 = vector.broadcast %add3A_184 : i32 to vector<16xi32>
      %add3A_186 = arith.addi %min3A_170, %add3A_185 : vector<16xi32>
      %select_n3A_187 = arith.select %lt3A_183, %add3A_186, %min3A_170 : vector<16xi1>, vector<16xi32>
      %broadcast_in_dim3A_188 = vector.shape_cast %select_n3A_187 : vector<16xi32> to vector<16x1xi32>
      %gather3A_189 = vector.shape_cast %broadcast_in_dim3A_188 : vector<16x1xi32> to vector<16xi32>
      %gather3A_190 = tpu.dynamic_gather %add3A_164[%gather3A_189] in [0] : vector<16xf32>, vector<16xi32> -> vector<16xf32>
      %eq3A_191 = arith.cmpi eq, %gather3A_180, %masked_sort3A_135 : vector<16xi32>
      %lt3A_192 = arith.constant 14 : i32
      %lt3A_193 = vector.broadcast %lt3A_192 : i32 to vector<16xi32>
      %lt3A_194 = arith.cmpi slt, %iota3A, %lt3A_193 : vector<16xi32>
      %and3A_195 = arith.andi %eq3A_191, %lt3A_194 : vector<16xi1>
      %jit3A_196 = arith.constant 0.000000e+00 : f32
      %broadcast_in_dim3A_197 = vector.broadcast %jit3A_196 : f32 to vector<16xf32>
      %select_n3A_198 = arith.select %and3A_195, %gather3A_190, %broadcast_in_dim3A_197 : vector<16xi1>, vector<16xf32>
      %add3A_199 = arith.addf %add3A_164, %select_n3A_198 : vector<16xf32>
      %add3A_200 = arith.constant 4 : i32
      %add3A_201 = vector.broadcast %add3A_200 : i32 to vector<16xi32>
      %add3A_202 = arith.addi %iota3A, %add3A_201 : vector<16xi32>
      %min3A_203 = arith.constant 15 : i32
      %min3A_204 = vector.broadcast %min3A_203 : i32 to vector<16xi32>
      %min3A_205 = arith.minsi %add3A_202, %min3A_204 : vector<16xi32>
      %lt3A_206 = arith.constant 0 : i32
      %lt3A_207 = vector.broadcast %lt3A_206 : i32 to vector<16xi32>
      %lt3A_208 = arith.cmpi slt, %min3A_205, %lt3A_207 : vector<16xi32>
      %add3A_209 = arith.constant 16 : i32
      %add3A_210 = vector.broadcast %add3A_209 : i32 to vector<16xi32>
      %add3A_211 = arith.addi %min3A_205, %add3A_210 : vector<16xi32>
      %select_n3A_212 = arith.select %lt3A_208, %add3A_211, %min3A_205 : vector<16xi1>, vector<16xi32>
      %broadcast_in_dim3A_213 = vector.shape_cast %select_n3A_212 : vector<16xi32> to vector<16x1xi32>
      %gather3A_214 = vector.shape_cast %broadcast_in_dim3A_213 : vector<16x1xi32> to vector<16xi32>
      %gather3A_215 = tpu.dynamic_gather %masked_sort3A_135[%gather3A_214] in [0] : vector<16xi32>, vector<16xi32> -> vector<16xi32>
      %lt3A_216 = arith.constant 0 : i32
      %lt3A_217 = vector.broadcast %lt3A_216 : i32 to vector<16xi32>
      %lt3A_218 = arith.cmpi slt, %min3A_205, %lt3A_217 : vector<16xi32>
      %add3A_219 = arith.constant 16 : i32
      %add3A_220 = vector.broadcast %add3A_219 : i32 to vector<16xi32>
      %add3A_221 = arith.addi %min3A_205, %add3A_220 : vector<16xi32>
      %select_n3A_222 = arith.select %lt3A_218, %add3A_221, %min3A_205 : vector<16xi1>, vector<16xi32>
      %broadcast_in_dim3A_223 = vector.shape_cast %select_n3A_222 : vector<16xi32> to vector<16x1xi32>
      %gather3A_224 = vector.shape_cast %broadcast_in_dim3A_223 : vector<16x1xi32> to vector<16xi32>
      %gather3A_225 = tpu.dynamic_gather %add3A_199[%gather3A_224] in [0] : vector<16xf32>, vector<16xi32> -> vector<16xf32>
      %eq3A_226 = arith.cmpi eq, %gather3A_215, %masked_sort3A_135 : vector<16xi32>
      %lt3A_227 = arith.constant 12 : i32
      %lt3A_228 = vector.broadcast %lt3A_227 : i32 to vector<16xi32>
      %lt3A_229 = arith.cmpi slt, %iota3A, %lt3A_228 : vector<16xi32>
      %and3A_230 = arith.andi %eq3A_226, %lt3A_229 : vector<16xi1>
      %jit3A_231 = arith.constant 0.000000e+00 : f32
      %broadcast_in_dim3A_232 = vector.broadcast %jit3A_231 : f32 to vector<16xf32>
      %select_n3A_233 = arith.select %and3A_230, %gather3A_225, %broadcast_in_dim3A_232 : vector<16xi1>, vector<16xf32>
      %add3A_234 = arith.addf %add3A_199, %select_n3A_233 : vector<16xf32>
      %add3A_235 = arith.constant 8 : i32
      %add3A_236 = vector.broadcast %add3A_235 : i32 to vector<16xi32>
      %add3A_237 = arith.addi %iota3A, %add3A_236 : vector<16xi32>
      %min3A_238 = arith.constant 15 : i32
      %min3A_239 = vector.broadcast %min3A_238 : i32 to vector<16xi32>
      %min3A_240 = arith.minsi %add3A_237, %min3A_239 : vector<16xi32>
      %lt3A_241 = arith.constant 0 : i32
      %lt3A_242 = vector.broadcast %lt3A_241 : i32 to vector<16xi32>
      %lt3A_243 = arith.cmpi slt, %min3A_240, %lt3A_242 : vector<16xi32>
      %add3A_244 = arith.constant 16 : i32
      %add3A_245 = vector.broadcast %add3A_244 : i32 to vector<16xi32>
      %add3A_246 = arith.addi %min3A_240, %add3A_245 : vector<16xi32>
      %select_n3A_247 = arith.select %lt3A_243, %add3A_246, %min3A_240 : vector<16xi1>, vector<16xi32>
      %broadcast_in_dim3A_248 = vector.shape_cast %select_n3A_247 : vector<16xi32> to vector<16x1xi32>
      %gather3A_249 = vector.shape_cast %broadcast_in_dim3A_248 : vector<16x1xi32> to vector<16xi32>
      %gather3A_250 = tpu.dynamic_gather %masked_sort3A_135[%gather3A_249] in [0] : vector<16xi32>, vector<16xi32> -> vector<16xi32>
      %lt3A_251 = arith.constant 0 : i32
      %lt3A_252 = vector.broadcast %lt3A_251 : i32 to vector<16xi32>
      %lt3A_253 = arith.cmpi slt, %min3A_240, %lt3A_252 : vector<16xi32>
      %add3A_254 = arith.constant 16 : i32
      %add3A_255 = vector.broadcast %add3A_254 : i32 to vector<16xi32>
      %add3A_256 = arith.addi %min3A_240, %add3A_255 : vector<16xi32>
      %select_n3A_257 = arith.select %lt3A_253, %add3A_256, %min3A_240 : vector<16xi1>, vector<16xi32>
      %broadcast_in_dim3A_258 = vector.shape_cast %select_n3A_257 : vector<16xi32> to vector<16x1xi32>
      %gather3A_259 = vector.shape_cast %broadcast_in_dim3A_258 : vector<16x1xi32> to vector<16xi32>
      %gather3A_260 = tpu.dynamic_gather %add3A_234[%gather3A_259] in [0] : vector<16xf32>, vector<16xi32> -> vector<16xf32>
      %eq3A_261 = arith.cmpi eq, %gather3A_250, %masked_sort3A_135 : vector<16xi32>
      %lt3A_262 = arith.constant 8 : i32
      %lt3A_263 = vector.broadcast %lt3A_262 : i32 to vector<16xi32>
      %lt3A_264 = arith.cmpi slt, %iota3A, %lt3A_263 : vector<16xi32>
      %and3A_265 = arith.andi %eq3A_261, %lt3A_264 : vector<16xi1>
      %jit3A_266 = arith.constant 0.000000e+00 : f32
      %broadcast_in_dim3A_267 = vector.broadcast %jit3A_266 : f32 to vector<16xf32>
      %select_n3A_268 = arith.select %and3A_265, %gather3A_260, %broadcast_in_dim3A_267 : vector<16xi1>, vector<16xf32>
      %add3A_269 = arith.addf %add3A_234, %select_n3A_268 : vector<16xf32>
      %sub3A = arith.constant 1 : i32
      %sub3A_270 = vector.broadcast %sub3A : i32 to vector<16xi32>
      %sub3A_271 = arith.subi %iota3A, %sub3A_270 : vector<16xi32>
      %max3A = arith.constant 0 : i32
      %max3A_272 = vector.broadcast %max3A : i32 to vector<16xi32>
      %max3A_273 = arith.maxsi %sub3A_271, %max3A_272 : vector<16xi32>
      %lt3A_274 = arith.constant 0 : i32
      %lt3A_275 = vector.broadcast %lt3A_274 : i32 to vector<16xi32>
      %lt3A_276 = arith.cmpi slt, %max3A_273, %lt3A_275 : vector<16xi32>
      %add3A_277 = arith.constant 16 : i32
      %add3A_278 = vector.broadcast %add3A_277 : i32 to vector<16xi32>
      %add3A_279 = arith.addi %max3A_273, %add3A_278 : vector<16xi32>
      %select_n3A_280 = arith.select %lt3A_276, %add3A_279, %max3A_273 : vector<16xi1>, vector<16xi32>
      %broadcast_in_dim3A_281 = vector.shape_cast %select_n3A_280 : vector<16xi32> to vector<16x1xi32>
      %gather3A_282 = vector.shape_cast %broadcast_in_dim3A_281 : vector<16x1xi32> to vector<16xi32>
      %gather3A_283 = tpu.dynamic_gather %masked_sort3A_135[%gather3A_282] in [0] : vector<16xi32>, vector<16xi32> -> vector<16xi32>
      %eq3A_284 = arith.constant 0 : i32
      %eq3A_285 = vector.broadcast %eq3A_284 : i32 to vector<16xi32>
      %eq3A_286 = arith.cmpi eq, %iota3A, %eq3A_285 : vector<16xi32>
      %ne3A = arith.cmpi ne, %gather3A_283, %masked_sort3A_135 : vector<16xi32>
      %or3A = arith.ori %eq3A_286, %ne3A : vector<16xi1>
      %shift_right_logical3A = arith.constant 7 : i32
      %shift_right_logical3A_287 = vector.broadcast %shift_right_logical3A : i32 to vector<16xi32>
      %shift_right_logical3A_288 = arith.shrui %masked_sort3A_135, %shift_right_logical3A_287 : vector<16xi32>
      %and3A_289 = arith.constant 127 : i32
      %and3A_290 = vector.broadcast %and3A_289 : i32 to vector<16xi32>
      %and3A_291 = arith.andi %masked_sort3A_135, %and3A_290 : vector<16xi32>
      tpu.vector_store_idx %arg13[%shift_right_logical3A_288, %and3A_291], %add3A_269 masked %or3A {add = true} : memref<80x128xf32, #tpu.memory_space<vmem>>[vector<16xi32>, vector<16xi32>], vector<16xf32>, vector<16xi1>
      %get3A_292 = arith.constant 16 : index
      %get3A_293 = tpu.vector_load %arg9[%get3A_292] {strides = array<i32>} : memref<80xi32, #tpu.memory_space<vmem>>, vector<16xi32>,
      %add3A_294 = arith.constant 16 : i32
      %add3A_295 = vector.broadcast %add3A_294 : i32 to vector<16xi32>
      %add3A_296 = arith.addi %iota3A, %add3A_295 : vector<16xi32>
      %mul3A_297 = arith.constant 16 : i32
      %mul3A_298 = vector.broadcast %mul3A_297 : i32 to vector<16xi32>
      %mul3A_299 = arith.muli %add3A_296, %mul3A_298 : vector<16xi32>
      %gather3A_300 = tpu.vector_load_idx %arg12[%mul3A_299] : memref<1280xf32, #tpu.memory_space<vmem>>[vector<16xi32>], vector<16xf32>,
      %masked_sort3A_301 = arith.constant dense<true> : vector<16xi1>
      %masked_sort3A_302 = arith.constant -2147483648 : i32
      %masked_sort3A_303 = vector.broadcast %masked_sort3A_302 : i32 to vector<16xi32>
      %masked_sort3A_304 = arith.xori %get3A_293, %masked_sort3A_303 : vector<16xi32>
      %masked_sort3A_305, %masked_sort3A_306, %masked_sort3A_307 = tpu.sort %masked_sort3A_304, %gather3A_300 masked %masked_sort3A_301 : (vector<16xi32>, vector<16xf32>, vector<16xi1>) -> (vector<16xi1>, vector<16xi32>, vector<16xf32>)
      %masked_sort3A_308 = arith.xori %masked_sort3A_306, %masked_sort3A_303 : vector<16xi32>
      %add3A_309 = arith.constant 1 : i32
      %add3A_310 = vector.broadcast %add3A_309 : i32 to vector<16xi32>
      %add3A_311 = arith.addi %iota3A, %add3A_310 : vector<16xi32>
      %min3A_312 = arith.constant 15 : i32
      %min3A_313 = vector.broadcast %min3A_312 : i32 to vector<16xi32>
      %min3A_314 = arith.minsi %add3A_311, %min3A_313 : vector<16xi32>
      %lt3A_315 = arith.constant 0 : i32
      %lt3A_316 = vector.broadcast %lt3A_315 : i32 to vector<16xi32>
      %lt3A_317 = arith.cmpi slt, %min3A_314, %lt3A_316 : vector<16xi32>
      %add3A_318 = arith.constant 16 : i32
      %add3A_319 = vector.broadcast %add3A_318 : i32 to vector<16xi32>
      %add3A_320 = arith.addi %min3A_314, %add3A_319 : vector<16xi32>
      %select_n3A_321 = arith.select %lt3A_317, %add3A_320, %min3A_314 : vector<16xi1>, vector<16xi32>
      %broadcast_in_dim3A_322 = vector.shape_cast %select_n3A_321 : vector<16xi32> to vector<16x1xi32>
      %gather3A_323 = vector.shape_cast %broadcast_in_dim3A_322 : vector<16x1xi32> to vector<16xi32>
      %gather3A_324 = tpu.dynamic_gather %masked_sort3A_308[%gather3A_323] in [0] : vector<16xi32>, vector<16xi32> -> vector<16xi32>
      %lt3A_325 = arith.constant 0 : i32
      %lt3A_326 = vector.broadcast %lt3A_325 : i32 to vector<16xi32>
      %lt3A_327 = arith.cmpi slt, %min3A_314, %lt3A_326 : vector<16xi32>
      %add3A_328 = arith.constant 16 : i32
      %add3A_329 = vector.broadcast %add3A_328 : i32 to vector<16xi32>
      %add3A_330 = arith.addi %min3A_314, %add3A_329 : vector<16xi32>
      %select_n3A_331 = arith.select %lt3A_327, %add3A_330, %min3A_314 : vector<16xi1>, vector<16xi32>
      %broadcast_in_dim3A_332 = vector.shape_cast %select_n3A_331 : vector<16xi32> to vector<16x1xi32>
      %gather3A_333 = vector.shape_cast %broadcast_in_dim3A_332 : vector<16x1xi32> to vector<16xi32>
      %gather3A_334 = tpu.dynamic_gather %masked_sort3A_307[%gather3A_333] in [0] : vector<16xf32>, vector<16xi32> -> vector<16xf32>
      %eq3A_335 = arith.cmpi eq, %gather3A_324, %masked_sort3A_308 : vector<16xi32>
      %lt3A_336 = arith.constant 15 : i32
      %lt3A_337 = vector.broadcast %lt3A_336 : i32 to vector<16xi32>
      %lt3A_338 = arith.cmpi slt, %iota3A, %lt3A_337 : vector<16xi32>
      %and3A_339 = arith.andi %eq3A_335, %lt3A_338 : vector<16xi1>
      %jit3A_340 = arith.constant 0.000000e+00 : f32
      %broadcast_in_dim3A_341 = vector.broadcast %jit3A_340 : f32 to vector<16xf32>
      %select_n3A_342 = arith.select %and3A_339, %gather3A_334, %broadcast_in_dim3A_341 : vector<16xi1>, vector<16xf32>
      %add3A_343 = arith.addf %masked_sort3A_307, %select_n3A_342 : vector<16xf32>
      %add3A_344 = arith.constant 2 : i32
      %add3A_345 = vector.broadcast %add3A_344 : i32 to vector<16xi32>
      %add3A_346 = arith.addi %iota3A, %add3A_345 : vector<16xi32>
      %min3A_347 = arith.constant 15 : i32
      %min3A_348 = vector.broadcast %min3A_347 : i32 to vector<16xi32>
      %min3A_349 = arith.minsi %add3A_346, %min3A_348 : vector<16xi32>
      %lt3A_350 = arith.constant 0 : i32
      %lt3A_351 = vector.broadcast %lt3A_350 : i32 to vector<16xi32>
      %lt3A_352 = arith.cmpi slt, %min3A_349, %lt3A_351 : vector<16xi32>
      %add3A_353 = arith.constant 16 : i32
      %add3A_354 = vector.broadcast %add3A_353 : i32 to vector<16xi32>
      %add3A_355 = arith.addi %min3A_349, %add3A_354 : vector<16xi32>
      %select_n3A_356 = arith.select %lt3A_352, %add3A_355, %min3A_349 : vector<16xi1>, vector<16xi32>
      %broadcast_in_dim3A_357 = vector.shape_cast %select_n3A_356 : vector<16xi32> to vector<16x1xi32>
      %gather3A_358 = vector.shape_cast %broadcast_in_dim3A_357 : vector<16x1xi32> to vector<16xi32>
      %gather3A_359 = tpu.dynamic_gather %masked_sort3A_308[%gather3A_358] in [0] : vector<16xi32>, vector<16xi32> -> vector<16xi32>
      %lt3A_360 = arith.constant 0 : i32
      %lt3A_361 = vector.broadcast %lt3A_360 : i32 to vector<16xi32>
      %lt3A_362 = arith.cmpi slt, %min3A_349, %lt3A_361 : vector<16xi32>
      %add3A_363 = arith.constant 16 : i32
      %add3A_364 = vector.broadcast %add3A_363 : i32 to vector<16xi32>
      %add3A_365 = arith.addi %min3A_349, %add3A_364 : vector<16xi32>
      %select_n3A_366 = arith.select %lt3A_362, %add3A_365, %min3A_349 : vector<16xi1>, vector<16xi32>
      %broadcast_in_dim3A_367 = vector.shape_cast %select_n3A_366 : vector<16xi32> to vector<16x1xi32>
      %gather3A_368 = vector.shape_cast %broadcast_in_dim3A_367 : vector<16x1xi32> to vector<16xi32>
      %gather3A_369 = tpu.dynamic_gather %add3A_343[%gather3A_368] in [0] : vector<16xf32>, vector<16xi32> -> vector<16xf32>
      %eq3A_370 = arith.cmpi eq, %gather3A_359, %masked_sort3A_308 : vector<16xi32>
      %lt3A_371 = arith.constant 14 : i32
      %lt3A_372 = vector.broadcast %lt3A_371 : i32 to vector<16xi32>
      %lt3A_373 = arith.cmpi slt, %iota3A, %lt3A_372 : vector<16xi32>
      %and3A_374 = arith.andi %eq3A_370, %lt3A_373 : vector<16xi1>
      %jit3A_375 = arith.constant 0.000000e+00 : f32
      %broadcast_in_dim3A_376 = vector.broadcast %jit3A_375 : f32 to vector<16xf32>
      %select_n3A_377 = arith.select %and3A_374, %gather3A_369, %broadcast_in_dim3A_376 : vector<16xi1>, vector<16xf32>
      %add3A_378 = arith.addf %add3A_343, %select_n3A_377 : vector<16xf32>
      %add3A_379 = arith.constant 4 : i32
      %add3A_380 = vector.broadcast %add3A_379 : i32 to vector<16xi32>
      %add3A_381 = arith.addi %iota3A, %add3A_380 : vector<16xi32>
      %min3A_382 = arith.constant 15 : i32
      %min3A_383 = vector.broadcast %min3A_382 : i32 to vector<16xi32>
      %min3A_384 = arith.minsi %add3A_381, %min3A_383 : vector<16xi32>
      %lt3A_385 = arith.constant 0 : i32
      %lt3A_386 = vector.broadcast %lt3A_385 : i32 to vector<16xi32>
      %lt3A_387 = arith.cmpi slt, %min3A_384, %lt3A_386 : vector<16xi32>
      %add3A_388 = arith.constant 16 : i32
      %add3A_389 = vector.broadcast %add3A_388 : i32 to vector<16xi32>
      %add3A_390 = arith.addi %min3A_384, %add3A_389 : vector<16xi32>
      %select_n3A_391 = arith.select %lt3A_387, %add3A_390, %min3A_384 : vector<16xi1>, vector<16xi32>
      %broadcast_in_dim3A_392 = vector.shape_cast %select_n3A_391 : vector<16xi32> to vector<16x1xi32>
      %gather3A_393 = vector.shape_cast %broadcast_in_dim3A_392 : vector<16x1xi32> to vector<16xi32>
      %gather3A_394 = tpu.dynamic_gather %masked_sort3A_308[%gather3A_393] in [0] : vector<16xi32>, vector<16xi32> -> vector<16xi32>
      %lt3A_395 = arith.constant 0 : i32
      %lt3A_396 = vector.broadcast %lt3A_395 : i32 to vector<16xi32>
      %lt3A_397 = arith.cmpi slt, %min3A_384, %lt3A_396 : vector<16xi32>
      %add3A_398 = arith.constant 16 : i32
      %add3A_399 = vector.broadcast %add3A_398 : i32 to vector<16xi32>
      %add3A_400 = arith.addi %min3A_384, %add3A_399 : vector<16xi32>
      %select_n3A_401 = arith.select %lt3A_397, %add3A_400, %min3A_384 : vector<16xi1>, vector<16xi32>
      %broadcast_in_dim3A_402 = vector.shape_cast %select_n3A_401 : vector<16xi32> to vector<16x1xi32>
      %gather3A_403 = vector.shape_cast %broadcast_in_dim3A_402 : vector<16x1xi32> to vector<16xi32>
      %gather3A_404 = tpu.dynamic_gather %add3A_378[%gather3A_403] in [0] : vector<16xf32>, vector<16xi32> -> vector<16xf32>
      %eq3A_405 = arith.cmpi eq, %gather3A_394, %masked_sort3A_308 : vector<16xi32>
      %lt3A_406 = arith.constant 12 : i32
      %lt3A_407 = vector.broadcast %lt3A_406 : i32 to vector<16xi32>
      %lt3A_408 = arith.cmpi slt, %iota3A, %lt3A_407 : vector<16xi32>
      %and3A_409 = arith.andi %eq3A_405, %lt3A_408 : vector<16xi1>
      %jit3A_410 = arith.constant 0.000000e+00 : f32
      %broadcast_in_dim3A_411 = vector.broadcast %jit3A_410 : f32 to vector<16xf32>
      %select_n3A_412 = arith.select %and3A_409, %gather3A_404, %broadcast_in_dim3A_411 : vector<16xi1>, vector<16xf32>
      %add3A_413 = arith.addf %add3A_378, %select_n3A_412 : vector<16xf32>
      %add3A_414 = arith.constant 8 : i32
      %add3A_415 = vector.broadcast %add3A_414 : i32 to vector<16xi32>
      %add3A_416 = arith.addi %iota3A, %add3A_415 : vector<16xi32>
      %min3A_417 = arith.constant 15 : i32
      %min3A_418 = vector.broadcast %min3A_417 : i32 to vector<16xi32>
      %min3A_419 = arith.minsi %add3A_416, %min3A_418 : vector<16xi32>
      %lt3A_420 = arith.constant 0 : i32
      %lt3A_421 = vector.broadcast %lt3A_420 : i32 to vector<16xi32>
      %lt3A_422 = arith.cmpi slt, %min3A_419, %lt3A_421 : vector<16xi32>
      %add3A_423 = arith.constant 16 : i32
      %add3A_424 = vector.broadcast %add3A_423 : i32 to vector<16xi32>
      %add3A_425 = arith.addi %min3A_419, %add3A_424 : vector<16xi32>
      %select_n3A_426 = arith.select %lt3A_422, %add3A_425, %min3A_419 : vector<16xi1>, vector<16xi32>
      %broadcast_in_dim3A_427 = vector.shape_cast %select_n3A_426 : vector<16xi32> to vector<16x1xi32>
      %gather3A_428 = vector.shape_cast %broadcast_in_dim3A_427 : vector<16x1xi32> to vector<16xi32>
      %gather3A_429 = tpu.dynamic_gather %masked_sort3A_308[%gather3A_428] in [0] : vector<16xi32>, vector<16xi32> -> vector<16xi32>
      %lt3A_430 = arith.constant 0 : i32
      %lt3A_431 = vector.broadcast %lt3A_430 : i32 to vector<16xi32>
      %lt3A_432 = arith.cmpi slt, %min3A_419, %lt3A_431 : vector<16xi32>
      %add3A_433 = arith.constant 16 : i32
      %add3A_434 = vector.broadcast %add3A_433 : i32 to vector<16xi32>
      %add3A_435 = arith.addi %min3A_419, %add3A_434 : vector<16xi32>
      %select_n3A_436 = arith.select %lt3A_432, %add3A_435, %min3A_419 : vector<16xi1>, vector<16xi32>
      %broadcast_in_dim3A_437 = vector.shape_cast %select_n3A_436 : vector<16xi32> to vector<16x1xi32>
      %gather3A_438 = vector.shape_cast %broadcast_in_dim3A_437 : vector<16x1xi32> to vector<16xi32>
      %gather3A_439 = tpu.dynamic_gather %add3A_413[%gather3A_438] in [0] : vector<16xf32>, vector<16xi32> -> vector<16xf32>
      %eq3A_440 = arith.cmpi eq, %gather3A_429, %masked_sort3A_308 : vector<16xi32>
      %lt3A_441 = arith.constant 8 : i32
      %lt3A_442 = vector.broadcast %lt3A_441 : i32 to vector<16xi32>
      %lt3A_443 = arith.cmpi slt, %iota3A, %lt3A_442 : vector<16xi32>
      %and3A_444 = arith.andi %eq3A_440, %lt3A_443 : vector<16xi1>
      %jit3A_445 = arith.constant 0.000000e+00 : f32
      %broadcast_in_dim3A_446 = vector.broadcast %jit3A_445 : f32 to vector<16xf32>
      %select_n3A_447 = arith.select %and3A_444, %gather3A_439, %broadcast_in_dim3A_446 : vector<16xi1>, vector<16xf32>
      %add3A_448 = arith.addf %add3A_413, %select_n3A_447 : vector<16xf32>
      %sub3A_449 = arith.constant 1 : i32
      %sub3A_450 = vector.broadcast %sub3A_449 : i32 to vector<16xi32>
      %sub3A_451 = arith.subi %iota3A, %sub3A_450 : vector<16xi32>
      %max3A_452 = arith.constant 0 : i32
      %max3A_453 = vector.broadcast %max3A_452 : i32 to vector<16xi32>
      %max3A_454 = arith.maxsi %sub3A_451, %max3A_453 : vector<16xi32>
      %lt3A_455 = arith.constant 0 : i32
      %lt3A_456 = vector.broadcast %lt3A_455 : i32 to vector<16xi32>
      %lt3A_457 = arith.cmpi slt, %max3A_454, %lt3A_456 : vector<16xi32>
      %add3A_458 = arith.constant 16 : i32
      %add3A_459 = vector.broadcast %add3A_458 : i32 to vector<16xi32>
      %add3A_460 = arith.addi %max3A_454, %add3A_459 : vector<16xi32>
      %select_n3A_461 = arith.select %lt3A_457, %add3A_460, %max3A_454 : vector<16xi1>, vector<16xi32>
      %broadcast_in_dim3A_462 = vector.shape_cast %select_n3A_461 : vector<16xi32> to vector<16x1xi32>
      %gather3A_463 = vector.shape_cast %broadcast_in_dim3A_462 : vector<16x1xi32> to vector<16xi32>
      %gather3A_464 = tpu.dynamic_gather %masked_sort3A_308[%gather3A_463] in [0] : vector<16xi32>, vector<16xi32> -> vector<16xi32>
      %eq3A_465 = arith.constant 0 : i32
      %eq3A_466 = vector.broadcast %eq3A_465 : i32 to vector<16xi32>
      %eq3A_467 = arith.cmpi eq, %iota3A, %eq3A_466 : vector<16xi32>
      %ne3A_468 = arith.cmpi ne, %gather3A_464, %masked_sort3A_308 : vector<16xi32>
      %or3A_469 = arith.ori %eq3A_467, %ne3A_468 : vector<16xi1>
      %shift_right_logical3A_470 = arith.constant 7 : i32
      %shift_right_logical3A_471 = vector.broadcast %shift_right_logical3A_470 : i32 to vector<16xi32>
      %shift_right_logical3A_472 = arith.shrui %masked_sort3A_308, %shift_right_logical3A_471 : vector<16xi32>
      %and3A_473 = arith.constant 127 : i32
      %and3A_474 = vector.broadcast %and3A_473 : i32 to vector<16xi32>
      %and3A_475 = arith.andi %masked_sort3A_308, %and3A_474 : vector<16xi32>
      tpu.vector_store_idx %arg13[%shift_right_logical3A_472, %and3A_475], %add3A_448 masked %or3A_469 {add = true} : memref<80x128xf32, #tpu.memory_space<vmem>>[vector<16xi32>, vector<16xi32>], vector<16xf32>, vector<16xi1>
      %get3A_476 = arith.constant 32 : index
      %get3A_477 = tpu.vector_load %arg9[%get3A_476] {strides = array<i32>} : memref<80xi32, #tpu.memory_space<vmem>>, vector<16xi32>,
      %add3A_478 = arith.constant 32 : i32
      %add3A_479 = vector.broadcast %add3A_478 : i32 to vector<16xi32>
      %add3A_480 = arith.addi %iota3A, %add3A_479 : vector<16xi32>
      %mul3A_481 = arith.constant 16 : i32
      %mul3A_482 = vector.broadcast %mul3A_481 : i32 to vector<16xi32>
      %mul3A_483 = arith.muli %add3A_480, %mul3A_482 : vector<16xi32>
      %gather3A_484 = tpu.vector_load_idx %arg12[%mul3A_483] : memref<1280xf32, #tpu.memory_space<vmem>>[vector<16xi32>], vector<16xf32>,
      %masked_sort3A_485 = arith.constant dense<true> : vector<16xi1>
      %masked_sort3A_486 = arith.constant -2147483648 : i32
      %masked_sort3A_487 = vector.broadcast %masked_sort3A_486 : i32 to vector<16xi32>
      %masked_sort3A_488 = arith.xori %get3A_477, %masked_sort3A_487 : vector<16xi32>
      %masked_sort3A_489, %masked_sort3A_490, %masked_sort3A_491 = tpu.sort %masked_sort3A_488, %gather3A_484 masked %masked_sort3A_485 : (vector<16xi32>, vector<16xf32>, vector<16xi1>) -> (vector<16xi1>, vector<16xi32>, vector<16xf32>)
      %masked_sort3A_492 = arith.xori %masked_sort3A_490, %masked_sort3A_487 : vector<16xi32>
      %add3A_493 = arith.constant 1 : i32
      %add3A_494 = vector.broadcast %add3A_493 : i32 to vector<16xi32>
      %add3A_495 = arith.addi %iota3A, %add3A_494 : vector<16xi32>
      %min3A_496 = arith.constant 15 : i32
      %min3A_497 = vector.broadcast %min3A_496 : i32 to vector<16xi32>
      %min3A_498 = arith.minsi %add3A_495, %min3A_497 : vector<16xi32>
      %lt3A_499 = arith.constant 0 : i32
      %lt3A_500 = vector.broadcast %lt3A_499 : i32 to vector<16xi32>
      %lt3A_501 = arith.cmpi slt, %min3A_498, %lt3A_500 : vector<16xi32>
      %add3A_502 = arith.constant 16 : i32
      %add3A_503 = vector.broadcast %add3A_502 : i32 to vector<16xi32>
      %add3A_504 = arith.addi %min3A_498, %add3A_503 : vector<16xi32>
      %select_n3A_505 = arith.select %lt3A_501, %add3A_504, %min3A_498 : vector<16xi1>, vector<16xi32>
      %broadcast_in_dim3A_506 = vector.shape_cast %select_n3A_505 : vector<16xi32> to vector<16x1xi32>
      %gather3A_507 = vector.shape_cast %broadcast_in_dim3A_506 : vector<16x1xi32> to vector<16xi32>
      %gather3A_508 = tpu.dynamic_gather %masked_sort3A_492[%gather3A_507] in [0] : vector<16xi32>, vector<16xi32> -> vector<16xi32>
      %lt3A_509 = arith.constant 0 : i32
      %lt3A_510 = vector.broadcast %lt3A_509 : i32 to vector<16xi32>
      %lt3A_511 = arith.cmpi slt, %min3A_498, %lt3A_510 : vector<16xi32>
      %add3A_512 = arith.constant 16 : i32
      %add3A_513 = vector.broadcast %add3A_512 : i32 to vector<16xi32>
      %add3A_514 = arith.addi %min3A_498, %add3A_513 : vector<16xi32>
      %select_n3A_515 = arith.select %lt3A_511, %add3A_514, %min3A_498 : vector<16xi1>, vector<16xi32>
      %broadcast_in_dim3A_516 = vector.shape_cast %select_n3A_515 : vector<16xi32> to vector<16x1xi32>
      %gather3A_517 = vector.shape_cast %broadcast_in_dim3A_516 : vector<16x1xi32> to vector<16xi32>
      %gather3A_518 = tpu.dynamic_gather %masked_sort3A_491[%gather3A_517] in [0] : vector<16xf32>, vector<16xi32> -> vector<16xf32>
      %eq3A_519 = arith.cmpi eq, %gather3A_508, %masked_sort3A_492 : vector<16xi32>
      %lt3A_520 = arith.constant 15 : i32
      %lt3A_521 = vector.broadcast %lt3A_520 : i32 to vector<16xi32>
      %lt3A_522 = arith.cmpi slt, %iota3A, %lt3A_521 : vector<16xi32>
      %and3A_523 = arith.andi %eq3A_519, %lt3A_522 : vector<16xi1>
      %jit3A_524 = arith.constant 0.000000e+00 : f32
      %broadcast_in_dim3A_525 = vector.broadcast %jit3A_524 : f32 to vector<16xf32>
      %select_n3A_526 = arith.select %and3A_523, %gather3A_518, %broadcast_in_dim3A_525 : vector<16xi1>, vector<16xf32>
      %add3A_527 = arith.addf %masked_sort3A_491, %select_n3A_526 : vector<16xf32>
      %add3A_528 = arith.constant 2 : i32
      %add3A_529 = vector.broadcast %add3A_528 : i32 to vector<16xi32>
      %add3A_530 = arith.addi %iota3A, %add3A_529 : vector<16xi32>
      %min3A_531 = arith.constant 15 : i32
      %min3A_532 = vector.broadcast %min3A_531 : i32 to vector<16xi32>
      %min3A_533 = arith.minsi %add3A_530, %min3A_532 : vector<16xi32>
      %lt3A_534 = arith.constant 0 : i32
      %lt3A_535 = vector.broadcast %lt3A_534 : i32 to vector<16xi32>
      %lt3A_536 = arith.cmpi slt, %min3A_533, %lt3A_535 : vector<16xi32>
      %add3A_537 = arith.constant 16 : i32
      %add3A_538 = vector.broadcast %add3A_537 : i32 to vector<16xi32>
      %add3A_539 = arith.addi %min3A_533, %add3A_538 : vector<16xi32>
      %select_n3A_540 = arith.select %lt3A_536, %add3A_539, %min3A_533 : vector<16xi1>, vector<16xi32>
      %broadcast_in_dim3A_541 = vector.shape_cast %select_n3A_540 : vector<16xi32> to vector<16x1xi32>
      %gather3A_542 = vector.shape_cast %broadcast_in_dim3A_541 : vector<16x1xi32> to vector<16xi32>
      %gather3A_543 = tpu.dynamic_gather %masked_sort3A_492[%gather3A_542] in [0] : vector<16xi32>, vector<16xi32> -> vector<16xi32>
      %lt3A_544 = arith.constant 0 : i32
      %lt3A_545 = vector.broadcast %lt3A_544 : i32 to vector<16xi32>
      %lt3A_546 = arith.cmpi slt, %min3A_533, %lt3A_545 : vector<16xi32>
      %add3A_547 = arith.constant 16 : i32
      %add3A_548 = vector.broadcast %add3A_547 : i32 to vector<16xi32>
      %add3A_549 = arith.addi %min3A_533, %add3A_548 : vector<16xi32>
      %select_n3A_550 = arith.select %lt3A_546, %add3A_549, %min3A_533 : vector<16xi1>, vector<16xi32>
      %broadcast_in_dim3A_551 = vector.shape_cast %select_n3A_550 : vector<16xi32> to vector<16x1xi32>
      %gather3A_552 = vector.shape_cast %broadcast_in_dim3A_551 : vector<16x1xi32> to vector<16xi32>
      %gather3A_553 = tpu.dynamic_gather %add3A_527[%gather3A_552] in [0] : vector<16xf32>, vector<16xi32> -> vector<16xf32>
      %eq3A_554 = arith.cmpi eq, %gather3A_543, %masked_sort3A_492 : vector<16xi32>
      %lt3A_555 = arith.constant 14 : i32
      %lt3A_556 = vector.broadcast %lt3A_555 : i32 to vector<16xi32>
      %lt3A_557 = arith.cmpi slt, %iota3A, %lt3A_556 : vector<16xi32>
      %and3A_558 = arith.andi %eq3A_554, %lt3A_557 : vector<16xi1>
      %jit3A_559 = arith.constant 0.000000e+00 : f32
      %broadcast_in_dim3A_560 = vector.broadcast %jit3A_559 : f32 to vector<16xf32>
      %select_n3A_561 = arith.select %and3A_558, %gather3A_553, %broadcast_in_dim3A_560 : vector<16xi1>, vector<16xf32>
      %add3A_562 = arith.addf %add3A_527, %select_n3A_561 : vector<16xf32>
      %add3A_563 = arith.constant 4 : i32
      %add3A_564 = vector.broadcast %add3A_563 : i32 to vector<16xi32>
      %add3A_565 = arith.addi %iota3A, %add3A_564 : vector<16xi32>
      %min3A_566 = arith.constant 15 : i32
      %min3A_567 = vector.broadcast %min3A_566 : i32 to vector<16xi32>
      %min3A_568 = arith.minsi %add3A_565, %min3A_567 : vector<16xi32>
      %lt3A_569 = arith.constant 0 : i32
      %lt3A_570 = vector.broadcast %lt3A_569 : i32 to vector<16xi32>
      %lt3A_571 = arith.cmpi slt, %min3A_568, %lt3A_570 : vector<16xi32>
      %add3A_572 = arith.constant 16 : i32
      %add3A_573 = vector.broadcast %add3A_572 : i32 to vector<16xi32>
      %add3A_574 = arith.addi %min3A_568, %add3A_573 : vector<16xi32>
      %select_n3A_575 = arith.select %lt3A_571, %add3A_574, %min3A_568 : vector<16xi1>, vector<16xi32>
      %broadcast_in_dim3A_576 = vector.shape_cast %select_n3A_575 : vector<16xi32> to vector<16x1xi32>
      %gather3A_577 = vector.shape_cast %broadcast_in_dim3A_576 : vector<16x1xi32> to vector<16xi32>
      %gather3A_578 = tpu.dynamic_gather %masked_sort3A_492[%gather3A_577] in [0] : vector<16xi32>, vector<16xi32> -> vector<16xi32>
      %lt3A_579 = arith.constant 0 : i32
      %lt3A_580 = vector.broadcast %lt3A_579 : i32 to vector<16xi32>
      %lt3A_581 = arith.cmpi slt, %min3A_568, %lt3A_580 : vector<16xi32>
      %add3A_582 = arith.constant 16 : i32
      %add3A_583 = vector.broadcast %add3A_582 : i32 to vector<16xi32>
      %add3A_584 = arith.addi %min3A_568, %add3A_583 : vector<16xi32>
      %select_n3A_585 = arith.select %lt3A_581, %add3A_584, %min3A_568 : vector<16xi1>, vector<16xi32>
      %broadcast_in_dim3A_586 = vector.shape_cast %select_n3A_585 : vector<16xi32> to vector<16x1xi32>
      %gather3A_587 = vector.shape_cast %broadcast_in_dim3A_586 : vector<16x1xi32> to vector<16xi32>
      %gather3A_588 = tpu.dynamic_gather %add3A_562[%gather3A_587] in [0] : vector<16xf32>, vector<16xi32> -> vector<16xf32>
      %eq3A_589 = arith.cmpi eq, %gather3A_578, %masked_sort3A_492 : vector<16xi32>
      %lt3A_590 = arith.constant 12 : i32
      %lt3A_591 = vector.broadcast %lt3A_590 : i32 to vector<16xi32>
      %lt3A_592 = arith.cmpi slt, %iota3A, %lt3A_591 : vector<16xi32>
      %and3A_593 = arith.andi %eq3A_589, %lt3A_592 : vector<16xi1>
      %jit3A_594 = arith.constant 0.000000e+00 : f32
      %broadcast_in_dim3A_595 = vector.broadcast %jit3A_594 : f32 to vector<16xf32>
      %select_n3A_596 = arith.select %and3A_593, %gather3A_588, %broadcast_in_dim3A_595 : vector<16xi1>, vector<16xf32>
      %add3A_597 = arith.addf %add3A_562, %select_n3A_596 : vector<16xf32>
      %add3A_598 = arith.constant 8 : i32
      %add3A_599 = vector.broadcast %add3A_598 : i32 to vector<16xi32>
      %add3A_600 = arith.addi %iota3A, %add3A_599 : vector<16xi32>
      %min3A_601 = arith.constant 15 : i32
      %min3A_602 = vector.broadcast %min3A_601 : i32 to vector<16xi32>
      %min3A_603 = arith.minsi %add3A_600, %min3A_602 : vector<16xi32>
      %lt3A_604 = arith.constant 0 : i32
      %lt3A_605 = vector.broadcast %lt3A_604 : i32 to vector<16xi32>
      %lt3A_606 = arith.cmpi slt, %min3A_603, %lt3A_605 : vector<16xi32>
      %add3A_607 = arith.constant 16 : i32
      %add3A_608 = vector.broadcast %add3A_607 : i32 to vector<16xi32>
      %add3A_609 = arith.addi %min3A_603, %add3A_608 : vector<16xi32>
      %select_n3A_610 = arith.select %lt3A_606, %add3A_609, %min3A_603 : vector<16xi1>, vector<16xi32>
      %broadcast_in_dim3A_611 = vector.shape_cast %select_n3A_610 : vector<16xi32> to vector<16x1xi32>
      %gather3A_612 = vector.shape_cast %broadcast_in_dim3A_611 : vector<16x1xi32> to vector<16xi32>
      %gather3A_613 = tpu.dynamic_gather %masked_sort3A_492[%gather3A_612] in [0] : vector<16xi32>, vector<16xi32> -> vector<16xi32>
      %lt3A_614 = arith.constant 0 : i32
      %lt3A_615 = vector.broadcast %lt3A_614 : i32 to vector<16xi32>
      %lt3A_616 = arith.cmpi slt, %min3A_603, %lt3A_615 : vector<16xi32>
      %add3A_617 = arith.constant 16 : i32
      %add3A_618 = vector.broadcast %add3A_617 : i32 to vector<16xi32>
      %add3A_619 = arith.addi %min3A_603, %add3A_618 : vector<16xi32>
      %select_n3A_620 = arith.select %lt3A_616, %add3A_619, %min3A_603 : vector<16xi1>, vector<16xi32>
      %broadcast_in_dim3A_621 = vector.shape_cast %select_n3A_620 : vector<16xi32> to vector<16x1xi32>
      %gather3A_622 = vector.shape_cast %broadcast_in_dim3A_621 : vector<16x1xi32> to vector<16xi32>
      %gather3A_623 = tpu.dynamic_gather %add3A_597[%gather3A_622] in [0] : vector<16xf32>, vector<16xi32> -> vector<16xf32>
      %eq3A_624 = arith.cmpi eq, %gather3A_613, %masked_sort3A_492 : vector<16xi32>
      %lt3A_625 = arith.constant 8 : i32
      %lt3A_626 = vector.broadcast %lt3A_625 : i32 to vector<16xi32>
      %lt3A_627 = arith.cmpi slt, %iota3A, %lt3A_626 : vector<16xi32>
      %and3A_628 = arith.andi %eq3A_624, %lt3A_627 : vector<16xi1>
      %jit3A_629 = arith.constant 0.000000e+00 : f32
      %broadcast_in_dim3A_630 = vector.broadcast %jit3A_629 : f32 to vector<16xf32>
      %select_n3A_631 = arith.select %and3A_628, %gather3A_623, %broadcast_in_dim3A_630 : vector<16xi1>, vector<16xf32>
      %add3A_632 = arith.addf %add3A_597, %select_n3A_631 : vector<16xf32>
      %sub3A_633 = arith.constant 1 : i32
      %sub3A_634 = vector.broadcast %sub3A_633 : i32 to vector<16xi32>
      %sub3A_635 = arith.subi %iota3A, %sub3A_634 : vector<16xi32>
      %max3A_636 = arith.constant 0 : i32
      %max3A_637 = vector.broadcast %max3A_636 : i32 to vector<16xi32>
      %max3A_638 = arith.maxsi %sub3A_635, %max3A_637 : vector<16xi32>
      %lt3A_639 = arith.constant 0 : i32
      %lt3A_640 = vector.broadcast %lt3A_639 : i32 to vector<16xi32>
      %lt3A_641 = arith.cmpi slt, %max3A_638, %lt3A_640 : vector<16xi32>
      %add3A_642 = arith.constant 16 : i32
      %add3A_643 = vector.broadcast %add3A_642 : i32 to vector<16xi32>
      %add3A_644 = arith.addi %max3A_638, %add3A_643 : vector<16xi32>
      %select_n3A_645 = arith.select %lt3A_641, %add3A_644, %max3A_638 : vector<16xi1>, vector<16xi32>
      %broadcast_in_dim3A_646 = vector.shape_cast %select_n3A_645 : vector<16xi32> to vector<16x1xi32>
      %gather3A_647 = vector.shape_cast %broadcast_in_dim3A_646 : vector<16x1xi32> to vector<16xi32>
      %gather3A_648 = tpu.dynamic_gather %masked_sort3A_492[%gather3A_647] in [0] : vector<16xi32>, vector<16xi32> -> vector<16xi32>
      %eq3A_649 = arith.constant 0 : i32
      %eq3A_650 = vector.broadcast %eq3A_649 : i32 to vector<16xi32>
      %eq3A_651 = arith.cmpi eq, %iota3A, %eq3A_650 : vector<16xi32>
      %ne3A_652 = arith.cmpi ne, %gather3A_648, %masked_sort3A_492 : vector<16xi32>
      %or3A_653 = arith.ori %eq3A_651, %ne3A_652 : vector<16xi1>
      %shift_right_logical3A_654 = arith.constant 7 : i32
      %shift_right_logical3A_655 = vector.broadcast %shift_right_logical3A_654 : i32 to vector<16xi32>
      %shift_right_logical3A_656 = arith.shrui %masked_sort3A_492, %shift_right_logical3A_655 : vector<16xi32>
      %and3A_657 = arith.constant 127 : i32
      %and3A_658 = vector.broadcast %and3A_657 : i32 to vector<16xi32>
      %and3A_659 = arith.andi %masked_sort3A_492, %and3A_658 : vector<16xi32>
      tpu.vector_store_idx %arg13[%shift_right_logical3A_656, %and3A_659], %add3A_632 masked %or3A_653 {add = true} : memref<80x128xf32, #tpu.memory_space<vmem>>[vector<16xi32>, vector<16xi32>], vector<16xf32>, vector<16xi1>
      %get3A_660 = arith.constant 48 : index
      %get3A_661 = tpu.vector_load %arg9[%get3A_660] {strides = array<i32>} : memref<80xi32, #tpu.memory_space<vmem>>, vector<16xi32>,
      %add3A_662 = arith.constant 48 : i32
      %add3A_663 = vector.broadcast %add3A_662 : i32 to vector<16xi32>
      %add3A_664 = arith.addi %iota3A, %add3A_663 : vector<16xi32>
      %mul3A_665 = arith.constant 16 : i32
      %mul3A_666 = vector.broadcast %mul3A_665 : i32 to vector<16xi32>
      %mul3A_667 = arith.muli %add3A_664, %mul3A_666 : vector<16xi32>
      %gather3A_668 = tpu.vector_load_idx %arg12[%mul3A_667] : memref<1280xf32, #tpu.memory_space<vmem>>[vector<16xi32>], vector<16xf32>,
      %masked_sort3A_669 = arith.constant dense<true> : vector<16xi1>
      %masked_sort3A_670 = arith.constant -2147483648 : i32
      %masked_sort3A_671 = vector.broadcast %masked_sort3A_670 : i32 to vector<16xi32>
      %masked_sort3A_672 = arith.xori %get3A_661, %masked_sort3A_671 : vector<16xi32>
      %masked_sort3A_673, %masked_sort3A_674, %masked_sort3A_675 = tpu.sort %masked_sort3A_672, %gather3A_668 masked %masked_sort3A_669 : (vector<16xi32>, vector<16xf32>, vector<16xi1>) -> (vector<16xi1>, vector<16xi32>, vector<16xf32>)
      %masked_sort3A_676 = arith.xori %masked_sort3A_674, %masked_sort3A_671 : vector<16xi32>
      %add3A_677 = arith.constant 1 : i32
      %add3A_678 = vector.broadcast %add3A_677 : i32 to vector<16xi32>
      %add3A_679 = arith.addi %iota3A, %add3A_678 : vector<16xi32>
      %min3A_680 = arith.constant 15 : i32
      %min3A_681 = vector.broadcast %min3A_680 : i32 to vector<16xi32>
      %min3A_682 = arith.minsi %add3A_679, %min3A_681 : vector<16xi32>
      %lt3A_683 = arith.constant 0 : i32
      %lt3A_684 = vector.broadcast %lt3A_683 : i32 to vector<16xi32>
      %lt3A_685 = arith.cmpi slt, %min3A_682, %lt3A_684 : vector<16xi32>
      %add3A_686 = arith.constant 16 : i32
      %add3A_687 = vector.broadcast %add3A_686 : i32 to vector<16xi32>
      %add3A_688 = arith.addi %min3A_682, %add3A_687 : vector<16xi32>
      %select_n3A_689 = arith.select %lt3A_685, %add3A_688, %min3A_682 : vector<16xi1>, vector<16xi32>
      %broadcast_in_dim3A_690 = vector.shape_cast %select_n3A_689 : vector<16xi32> to vector<16x1xi32>
      %gather3A_691 = vector.shape_cast %broadcast_in_dim3A_690 : vector<16x1xi32> to vector<16xi32>
      %gather3A_692 = tpu.dynamic_gather %masked_sort3A_676[%gather3A_691] in [0] : vector<16xi32>, vector<16xi32> -> vector<16xi32>
      %lt3A_693 = arith.constant 0 : i32
      %lt3A_694 = vector.broadcast %lt3A_693 : i32 to vector<16xi32>
      %lt3A_695 = arith.cmpi slt, %min3A_682, %lt3A_694 : vector<16xi32>
      %add3A_696 = arith.constant 16 : i32
      %add3A_697 = vector.broadcast %add3A_696 : i32 to vector<16xi32>
      %add3A_698 = arith.addi %min3A_682, %add3A_697 : vector<16xi32>
      %select_n3A_699 = arith.select %lt3A_695, %add3A_698, %min3A_682 : vector<16xi1>, vector<16xi32>
      %broadcast_in_dim3A_700 = vector.shape_cast %select_n3A_699 : vector<16xi32> to vector<16x1xi32>
      %gather3A_701 = vector.shape_cast %broadcast_in_dim3A_700 : vector<16x1xi32> to vector<16xi32>
      %gather3A_702 = tpu.dynamic_gather %masked_sort3A_675[%gather3A_701] in [0] : vector<16xf32>, vector<16xi32> -> vector<16xf32>
      %eq3A_703 = arith.cmpi eq, %gather3A_692, %masked_sort3A_676 : vector<16xi32>
      %lt3A_704 = arith.constant 15 : i32
      %lt3A_705 = vector.broadcast %lt3A_704 : i32 to vector<16xi32>
      %lt3A_706 = arith.cmpi slt, %iota3A, %lt3A_705 : vector<16xi32>
      %and3A_707 = arith.andi %eq3A_703, %lt3A_706 : vector<16xi1>
      %jit3A_708 = arith.constant 0.000000e+00 : f32
      %broadcast_in_dim3A_709 = vector.broadcast %jit3A_708 : f32 to vector<16xf32>
      %select_n3A_710 = arith.select %and3A_707, %gather3A_702, %broadcast_in_dim3A_709 : vector<16xi1>, vector<16xf32>
      %add3A_711 = arith.addf %masked_sort3A_675, %select_n3A_710 : vector<16xf32>
      %add3A_712 = arith.constant 2 : i32
      %add3A_713 = vector.broadcast %add3A_712 : i32 to vector<16xi32>
      %add3A_714 = arith.addi %iota3A, %add3A_713 : vector<16xi32>
      %min3A_715 = arith.constant 15 : i32
      %min3A_716 = vector.broadcast %min3A_715 : i32 to vector<16xi32>
      %min3A_717 = arith.minsi %add3A_714, %min3A_716 : vector<16xi32>
      %lt3A_718 = arith.constant 0 : i32
      %lt3A_719 = vector.broadcast %lt3A_718 : i32 to vector<16xi32>
      %lt3A_720 = arith.cmpi slt, %min3A_717, %lt3A_719 : vector<16xi32>
      %add3A_721 = arith.constant 16 : i32
      %add3A_722 = vector.broadcast %add3A_721 : i32 to vector<16xi32>
      %add3A_723 = arith.addi %min3A_717, %add3A_722 : vector<16xi32>
      %select_n3A_724 = arith.select %lt3A_720, %add3A_723, %min3A_717 : vector<16xi1>, vector<16xi32>
      %broadcast_in_dim3A_725 = vector.shape_cast %select_n3A_724 : vector<16xi32> to vector<16x1xi32>
      %gather3A_726 = vector.shape_cast %broadcast_in_dim3A_725 : vector<16x1xi32> to vector<16xi32>
      %gather3A_727 = tpu.dynamic_gather %masked_sort3A_676[%gather3A_726] in [0] : vector<16xi32>, vector<16xi32> -> vector<16xi32>
      %lt3A_728 = arith.constant 0 : i32
      %lt3A_729 = vector.broadcast %lt3A_728 : i32 to vector<16xi32>
      %lt3A_730 = arith.cmpi slt, %min3A_717, %lt3A_729 : vector<16xi32>
      %add3A_731 = arith.constant 16 : i32
      %add3A_732 = vector.broadcast %add3A_731 : i32 to vector<16xi32>
      %add3A_733 = arith.addi %min3A_717, %add3A_732 : vector<16xi32>
      %select_n3A_734 = arith.select %lt3A_730, %add3A_733, %min3A_717 : vector<16xi1>, vector<16xi32>
      %broadcast_in_dim3A_735 = vector.shape_cast %select_n3A_734 : vector<16xi32> to vector<16x1xi32>
      %gather3A_736 = vector.shape_cast %broadcast_in_dim3A_735 : vector<16x1xi32> to vector<16xi32>
      %gather3A_737 = tpu.dynamic_gather %add3A_711[%gather3A_736] in [0] : vector<16xf32>, vector<16xi32> -> vector<16xf32>
      %eq3A_738 = arith.cmpi eq, %gather3A_727, %masked_sort3A_676 : vector<16xi32>
      %lt3A_739 = arith.constant 14 : i32
      %lt3A_740 = vector.broadcast %lt3A_739 : i32 to vector<16xi32>
      %lt3A_741 = arith.cmpi slt, %iota3A, %lt3A_740 : vector<16xi32>
      %and3A_742 = arith.andi %eq3A_738, %lt3A_741 : vector<16xi1>
      %jit3A_743 = arith.constant 0.000000e+00 : f32
      %broadcast_in_dim3A_744 = vector.broadcast %jit3A_743 : f32 to vector<16xf32>
      %select_n3A_745 = arith.select %and3A_742, %gather3A_737, %broadcast_in_dim3A_744 : vector<16xi1>, vector<16xf32>
      %add3A_746 = arith.addf %add3A_711, %select_n3A_745 : vector<16xf32>
      %add3A_747 = arith.constant 4 : i32
      %add3A_748 = vector.broadcast %add3A_747 : i32 to vector<16xi32>
      %add3A_749 = arith.addi %iota3A, %add3A_748 : vector<16xi32>
      %min3A_750 = arith.constant 15 : i32
      %min3A_751 = vector.broadcast %min3A_750 : i32 to vector<16xi32>
      %min3A_752 = arith.minsi %add3A_749, %min3A_751 : vector<16xi32>
      %lt3A_753 = arith.constant 0 : i32
      %lt3A_754 = vector.broadcast %lt3A_753 : i32 to vector<16xi32>
      %lt3A_755 = arith.cmpi slt, %min3A_752, %lt3A_754 : vector<16xi32>
      %add3A_756 = arith.constant 16 : i32
      %add3A_757 = vector.broadcast %add3A_756 : i32 to vector<16xi32>
      %add3A_758 = arith.addi %min3A_752, %add3A_757 : vector<16xi32>
      %select_n3A_759 = arith.select %lt3A_755, %add3A_758, %min3A_752 : vector<16xi1>, vector<16xi32>
      %broadcast_in_dim3A_760 = vector.shape_cast %select_n3A_759 : vector<16xi32> to vector<16x1xi32>
      %gather3A_761 = vector.shape_cast %broadcast_in_dim3A_760 : vector<16x1xi32> to vector<16xi32>
      %gather3A_762 = tpu.dynamic_gather %masked_sort3A_676[%gather3A_761] in [0] : vector<16xi32>, vector<16xi32> -> vector<16xi32>
      %lt3A_763 = arith.constant 0 : i32
      %lt3A_764 = vector.broadcast %lt3A_763 : i32 to vector<16xi32>
      %lt3A_765 = arith.cmpi slt, %min3A_752, %lt3A_764 : vector<16xi32>
      %add3A_766 = arith.constant 16 : i32
      %add3A_767 = vector.broadcast %add3A_766 : i32 to vector<16xi32>
      %add3A_768 = arith.addi %min3A_752, %add3A_767 : vector<16xi32>
      %select_n3A_769 = arith.select %lt3A_765, %add3A_768, %min3A_752 : vector<16xi1>, vector<16xi32>
      %broadcast_in_dim3A_770 = vector.shape_cast %select_n3A_769 : vector<16xi32> to vector<16x1xi32>
      %gather3A_771 = vector.shape_cast %broadcast_in_dim3A_770 : vector<16x1xi32> to vector<16xi32>
      %gather3A_772 = tpu.dynamic_gather %add3A_746[%gather3A_771] in [0] : vector<16xf32>, vector<16xi32> -> vector<16xf32>
      %eq3A_773 = arith.cmpi eq, %gather3A_762, %masked_sort3A_676 : vector<16xi32>
      %lt3A_774 = arith.constant 12 : i32
      %lt3A_775 = vector.broadcast %lt3A_774 : i32 to vector<16xi32>
      %lt3A_776 = arith.cmpi slt, %iota3A, %lt3A_775 : vector<16xi32>
      %and3A_777 = arith.andi %eq3A_773, %lt3A_776 : vector<16xi1>
      %jit3A_778 = arith.constant 0.000000e+00 : f32
      %broadcast_in_dim3A_779 = vector.broadcast %jit3A_778 : f32 to vector<16xf32>
      %select_n3A_780 = arith.select %and3A_777, %gather3A_772, %broadcast_in_dim3A_779 : vector<16xi1>, vector<16xf32>
      %add3A_781 = arith.addf %add3A_746, %select_n3A_780 : vector<16xf32>
      %add3A_782 = arith.constant 8 : i32
      %add3A_783 = vector.broadcast %add3A_782 : i32 to vector<16xi32>
      %add3A_784 = arith.addi %iota3A, %add3A_783 : vector<16xi32>
      %min3A_785 = arith.constant 15 : i32
      %min3A_786 = vector.broadcast %min3A_785 : i32 to vector<16xi32>
      %min3A_787 = arith.minsi %add3A_784, %min3A_786 : vector<16xi32>
      %lt3A_788 = arith.constant 0 : i32
      %lt3A_789 = vector.broadcast %lt3A_788 : i32 to vector<16xi32>
      %lt3A_790 = arith.cmpi slt, %min3A_787, %lt3A_789 : vector<16xi32>
      %add3A_791 = arith.constant 16 : i32
      %add3A_792 = vector.broadcast %add3A_791 : i32 to vector<16xi32>
      %add3A_793 = arith.addi %min3A_787, %add3A_792 : vector<16xi32>
      %select_n3A_794 = arith.select %lt3A_790, %add3A_793, %min3A_787 : vector<16xi1>, vector<16xi32>
      %broadcast_in_dim3A_795 = vector.shape_cast %select_n3A_794 : vector<16xi32> to vector<16x1xi32>
      %gather3A_796 = vector.shape_cast %broadcast_in_dim3A_795 : vector<16x1xi32> to vector<16xi32>
      %gather3A_797 = tpu.dynamic_gather %masked_sort3A_676[%gather3A_796] in [0] : vector<16xi32>, vector<16xi32> -> vector<16xi32>
      %lt3A_798 = arith.constant 0 : i32
      %lt3A_799 = vector.broadcast %lt3A_798 : i32 to vector<16xi32>
      %lt3A_800 = arith.cmpi slt, %min3A_787, %lt3A_799 : vector<16xi32>
      %add3A_801 = arith.constant 16 : i32
      %add3A_802 = vector.broadcast %add3A_801 : i32 to vector<16xi32>
      %add3A_803 = arith.addi %min3A_787, %add3A_802 : vector<16xi32>
      %select_n3A_804 = arith.select %lt3A_800, %add3A_803, %min3A_787 : vector<16xi1>, vector<16xi32>
      %broadcast_in_dim3A_805 = vector.shape_cast %select_n3A_804 : vector<16xi32> to vector<16x1xi32>
      %gather3A_806 = vector.shape_cast %broadcast_in_dim3A_805 : vector<16x1xi32> to vector<16xi32>
      %gather3A_807 = tpu.dynamic_gather %add3A_781[%gather3A_806] in [0] : vector<16xf32>, vector<16xi32> -> vector<16xf32>
      %eq3A_808 = arith.cmpi eq, %gather3A_797, %masked_sort3A_676 : vector<16xi32>
      %lt3A_809 = arith.constant 8 : i32
      %lt3A_810 = vector.broadcast %lt3A_809 : i32 to vector<16xi32>
      %lt3A_811 = arith.cmpi slt, %iota3A, %lt3A_810 : vector<16xi32>
      %and3A_812 = arith.andi %eq3A_808, %lt3A_811 : vector<16xi1>
      %jit3A_813 = arith.constant 0.000000e+00 : f32
      %broadcast_in_dim3A_814 = vector.broadcast %jit3A_813 : f32 to vector<16xf32>
      %select_n3A_815 = arith.select %and3A_812, %gather3A_807, %broadcast_in_dim3A_814 : vector<16xi1>, vector<16xf32>
      %add3A_816 = arith.addf %add3A_781, %select_n3A_815 : vector<16xf32>
      %sub3A_817 = arith.constant 1 : i32
      %sub3A_818 = vector.broadcast %sub3A_817 : i32 to vector<16xi32>
      %sub3A_819 = arith.subi %iota3A, %sub3A_818 : vector<16xi32>
      %max3A_820 = arith.constant 0 : i32
      %max3A_821 = vector.broadcast %max3A_820 : i32 to vector<16xi32>
      %max3A_822 = arith.maxsi %sub3A_819, %max3A_821 : vector<16xi32>
      %lt3A_823 = arith.constant 0 : i32
      %lt3A_824 = vector.broadcast %lt3A_823 : i32 to vector<16xi32>
      %lt3A_825 = arith.cmpi slt, %max3A_822, %lt3A_824 : vector<16xi32>
      %add3A_826 = arith.constant 16 : i32
      %add3A_827 = vector.broadcast %add3A_826 : i32 to vector<16xi32>
      %add3A_828 = arith.addi %max3A_822, %add3A_827 : vector<16xi32>
      %select_n3A_829 = arith.select %lt3A_825, %add3A_828, %max3A_822 : vector<16xi1>, vector<16xi32>
      %broadcast_in_dim3A_830 = vector.shape_cast %select_n3A_829 : vector<16xi32> to vector<16x1xi32>
      %gather3A_831 = vector.shape_cast %broadcast_in_dim3A_830 : vector<16x1xi32> to vector<16xi32>
      %gather3A_832 = tpu.dynamic_gather %masked_sort3A_676[%gather3A_831] in [0] : vector<16xi32>, vector<16xi32> -> vector<16xi32>
      %eq3A_833 = arith.constant 0 : i32
      %eq3A_834 = vector.broadcast %eq3A_833 : i32 to vector<16xi32>
      %eq3A_835 = arith.cmpi eq, %iota3A, %eq3A_834 : vector<16xi32>
      %ne3A_836 = arith.cmpi ne, %gather3A_832, %masked_sort3A_676 : vector<16xi32>
      %or3A_837 = arith.ori %eq3A_835, %ne3A_836 : vector<16xi1>
      %shift_right_logical3A_838 = arith.constant 7 : i32
      %shift_right_logical3A_839 = vector.broadcast %shift_right_logical3A_838 : i32 to vector<16xi32>
      %shift_right_logical3A_840 = arith.shrui %masked_sort3A_676, %shift_right_logical3A_839 : vector<16xi32>
      %and3A_841 = arith.constant 127 : i32
      %and3A_842 = vector.broadcast %and3A_841 : i32 to vector<16xi32>
      %and3A_843 = arith.andi %masked_sort3A_676, %and3A_842 : vector<16xi32>
      tpu.vector_store_idx %arg13[%shift_right_logical3A_840, %and3A_843], %add3A_816 masked %or3A_837 {add = true} : memref<80x128xf32, #tpu.memory_space<vmem>>[vector<16xi32>, vector<16xi32>], vector<16xf32>, vector<16xi1>
      %get3A_844 = arith.constant 64 : index
      %get3A_845 = tpu.vector_load %arg9[%get3A_844] {strides = array<i32>} : memref<80xi32, #tpu.memory_space<vmem>>, vector<16xi32>,
      %add3A_846 = arith.constant 64 : i32
      %add3A_847 = vector.broadcast %add3A_846 : i32 to vector<16xi32>
      %add3A_848 = arith.addi %iota3A, %add3A_847 : vector<16xi32>
      %mul3A_849 = arith.constant 16 : i32
      %mul3A_850 = vector.broadcast %mul3A_849 : i32 to vector<16xi32>
      %mul3A_851 = arith.muli %add3A_848, %mul3A_850 : vector<16xi32>
      %gather3A_852 = tpu.vector_load_idx %arg12[%mul3A_851] : memref<1280xf32, #tpu.memory_space<vmem>>[vector<16xi32>], vector<16xf32>,
      %masked_sort3A_853 = arith.constant dense<true> : vector<16xi1>
      %masked_sort3A_854 = arith.constant -2147483648 : i32
      %masked_sort3A_855 = vector.broadcast %masked_sort3A_854 : i32 to vector<16xi32>
      %masked_sort3A_856 = arith.xori %get3A_845, %masked_sort3A_855 : vector<16xi32>
      %masked_sort3A_857, %masked_sort3A_858, %masked_sort3A_859 = tpu.sort %masked_sort3A_856, %gather3A_852 masked %masked_sort3A_853 : (vector<16xi32>, vector<16xf32>, vector<16xi1>) -> (vector<16xi1>, vector<16xi32>, vector<16xf32>)
      %masked_sort3A_860 = arith.xori %masked_sort3A_858, %masked_sort3A_855 : vector<16xi32>
      %add3A_861 = arith.constant 1 : i32
      %add3A_862 = vector.broadcast %add3A_861 : i32 to vector<16xi32>
      %add3A_863 = arith.addi %iota3A, %add3A_862 : vector<16xi32>
      %min3A_864 = arith.constant 15 : i32
      %min3A_865 = vector.broadcast %min3A_864 : i32 to vector<16xi32>
      %min3A_866 = arith.minsi %add3A_863, %min3A_865 : vector<16xi32>
      %lt3A_867 = arith.constant 0 : i32
      %lt3A_868 = vector.broadcast %lt3A_867 : i32 to vector<16xi32>
      %lt3A_869 = arith.cmpi slt, %min3A_866, %lt3A_868 : vector<16xi32>
      %add3A_870 = arith.constant 16 : i32
      %add3A_871 = vector.broadcast %add3A_870 : i32 to vector<16xi32>
      %add3A_872 = arith.addi %min3A_866, %add3A_871 : vector<16xi32>
      %select_n3A_873 = arith.select %lt3A_869, %add3A_872, %min3A_866 : vector<16xi1>, vector<16xi32>
      %broadcast_in_dim3A_874 = vector.shape_cast %select_n3A_873 : vector<16xi32> to vector<16x1xi32>
      %gather3A_875 = vector.shape_cast %broadcast_in_dim3A_874 : vector<16x1xi32> to vector<16xi32>
      %gather3A_876 = tpu.dynamic_gather %masked_sort3A_860[%gather3A_875] in [0] : vector<16xi32>, vector<16xi32> -> vector<16xi32>
      %lt3A_877 = arith.constant 0 : i32
      %lt3A_878 = vector.broadcast %lt3A_877 : i32 to vector<16xi32>
      %lt3A_879 = arith.cmpi slt, %min3A_866, %lt3A_878 : vector<16xi32>
      %add3A_880 = arith.constant 16 : i32
      %add3A_881 = vector.broadcast %add3A_880 : i32 to vector<16xi32>
      %add3A_882 = arith.addi %min3A_866, %add3A_881 : vector<16xi32>
      %select_n3A_883 = arith.select %lt3A_879, %add3A_882, %min3A_866 : vector<16xi1>, vector<16xi32>
      %broadcast_in_dim3A_884 = vector.shape_cast %select_n3A_883 : vector<16xi32> to vector<16x1xi32>
      %gather3A_885 = vector.shape_cast %broadcast_in_dim3A_884 : vector<16x1xi32> to vector<16xi32>
      %gather3A_886 = tpu.dynamic_gather %masked_sort3A_859[%gather3A_885] in [0] : vector<16xf32>, vector<16xi32> -> vector<16xf32>
      %eq3A_887 = arith.cmpi eq, %gather3A_876, %masked_sort3A_860 : vector<16xi32>
      %lt3A_888 = arith.constant 15 : i32
      %lt3A_889 = vector.broadcast %lt3A_888 : i32 to vector<16xi32>
      %lt3A_890 = arith.cmpi slt, %iota3A, %lt3A_889 : vector<16xi32>
      %and3A_891 = arith.andi %eq3A_887, %lt3A_890 : vector<16xi1>
      %jit3A_892 = arith.constant 0.000000e+00 : f32
      %broadcast_in_dim3A_893 = vector.broadcast %jit3A_892 : f32 to vector<16xf32>
      %select_n3A_894 = arith.select %and3A_891, %gather3A_886, %broadcast_in_dim3A_893 : vector<16xi1>, vector<16xf32>
      %add3A_895 = arith.addf %masked_sort3A_859, %select_n3A_894 : vector<16xf32>
      %add3A_896 = arith.constant 2 : i32
      %add3A_897 = vector.broadcast %add3A_896 : i32 to vector<16xi32>
      %add3A_898 = arith.addi %iota3A, %add3A_897 : vector<16xi32>
      %min3A_899 = arith.constant 15 : i32
      %min3A_900 = vector.broadcast %min3A_899 : i32 to vector<16xi32>
      %min3A_901 = arith.minsi %add3A_898, %min3A_900 : vector<16xi32>
      %lt3A_902 = arith.constant 0 : i32
      %lt3A_903 = vector.broadcast %lt3A_902 : i32 to vector<16xi32>
      %lt3A_904 = arith.cmpi slt, %min3A_901, %lt3A_903 : vector<16xi32>
      %add3A_905 = arith.constant 16 : i32
      %add3A_906 = vector.broadcast %add3A_905 : i32 to vector<16xi32>
      %add3A_907 = arith.addi %min3A_901, %add3A_906 : vector<16xi32>
      %select_n3A_908 = arith.select %lt3A_904, %add3A_907, %min3A_901 : vector<16xi1>, vector<16xi32>
      %broadcast_in_dim3A_909 = vector.shape_cast %select_n3A_908 : vector<16xi32> to vector<16x1xi32>
      %gather3A_910 = vector.shape_cast %broadcast_in_dim3A_909 : vector<16x1xi32> to vector<16xi32>
      %gather3A_911 = tpu.dynamic_gather %masked_sort3A_860[%gather3A_910] in [0] : vector<16xi32>, vector<16xi32> -> vector<16xi32>
      %lt3A_912 = arith.constant 0 : i32
      %lt3A_913 = vector.broadcast %lt3A_912 : i32 to vector<16xi32>
      %lt3A_914 = arith.cmpi slt, %min3A_901, %lt3A_913 : vector<16xi32>
      %add3A_915 = arith.constant 16 : i32
      %add3A_916 = vector.broadcast %add3A_915 : i32 to vector<16xi32>
      %add3A_917 = arith.addi %min3A_901, %add3A_916 : vector<16xi32>
      %select_n3A_918 = arith.select %lt3A_914, %add3A_917, %min3A_901 : vector<16xi1>, vector<16xi32>
      %broadcast_in_dim3A_919 = vector.shape_cast %select_n3A_918 : vector<16xi32> to vector<16x1xi32>
      %gather3A_920 = vector.shape_cast %broadcast_in_dim3A_919 : vector<16x1xi32> to vector<16xi32>
      %gather3A_921 = tpu.dynamic_gather %add3A_895[%gather3A_920] in [0] : vector<16xf32>, vector<16xi32> -> vector<16xf32>
      %eq3A_922 = arith.cmpi eq, %gather3A_911, %masked_sort3A_860 : vector<16xi32>
      %lt3A_923 = arith.constant 14 : i32
      %lt3A_924 = vector.broadcast %lt3A_923 : i32 to vector<16xi32>
      %lt3A_925 = arith.cmpi slt, %iota3A, %lt3A_924 : vector<16xi32>
      %and3A_926 = arith.andi %eq3A_922, %lt3A_925 : vector<16xi1>
      %jit3A_927 = arith.constant 0.000000e+00 : f32
      %broadcast_in_dim3A_928 = vector.broadcast %jit3A_927 : f32 to vector<16xf32>
      %select_n3A_929 = arith.select %and3A_926, %gather3A_921, %broadcast_in_dim3A_928 : vector<16xi1>, vector<16xf32>
      %add3A_930 = arith.addf %add3A_895, %select_n3A_929 : vector<16xf32>
      %add3A_931 = arith.constant 4 : i32
      %add3A_932 = vector.broadcast %add3A_931 : i32 to vector<16xi32>
      %add3A_933 = arith.addi %iota3A, %add3A_932 : vector<16xi32>
      %min3A_934 = arith.constant 15 : i32
      %min3A_935 = vector.broadcast %min3A_934 : i32 to vector<16xi32>
      %min3A_936 = arith.minsi %add3A_933, %min3A_935 : vector<16xi32>
      %lt3A_937 = arith.constant 0 : i32
      %lt3A_938 = vector.broadcast %lt3A_937 : i32 to vector<16xi32>
      %lt3A_939 = arith.cmpi slt, %min3A_936, %lt3A_938 : vector<16xi32>
      %add3A_940 = arith.constant 16 : i32
      %add3A_941 = vector.broadcast %add3A_940 : i32 to vector<16xi32>
      %add3A_942 = arith.addi %min3A_936, %add3A_941 : vector<16xi32>
      %select_n3A_943 = arith.select %lt3A_939, %add3A_942, %min3A_936 : vector<16xi1>, vector<16xi32>
      %broadcast_in_dim3A_944 = vector.shape_cast %select_n3A_943 : vector<16xi32> to vector<16x1xi32>
      %gather3A_945 = vector.shape_cast %broadcast_in_dim3A_944 : vector<16x1xi32> to vector<16xi32>
      %gather3A_946 = tpu.dynamic_gather %masked_sort3A_860[%gather3A_945] in [0] : vector<16xi32>, vector<16xi32> -> vector<16xi32>
      %lt3A_947 = arith.constant 0 : i32
      %lt3A_948 = vector.broadcast %lt3A_947 : i32 to vector<16xi32>
      %lt3A_949 = arith.cmpi slt, %min3A_936, %lt3A_948 : vector<16xi32>
      %add3A_950 = arith.constant 16 : i32
      %add3A_951 = vector.broadcast %add3A_950 : i32 to vector<16xi32>
      %add3A_952 = arith.addi %min3A_936, %add3A_951 : vector<16xi32>
      %select_n3A_953 = arith.select %lt3A_949, %add3A_952, %min3A_936 : vector<16xi1>, vector<16xi32>
      %broadcast_in_dim3A_954 = vector.shape_cast %select_n3A_953 : vector<16xi32> to vector<16x1xi32>
      %gather3A_955 = vector.shape_cast %broadcast_in_dim3A_954 : vector<16x1xi32> to vector<16xi32>
      %gather3A_956 = tpu.dynamic_gather %add3A_930[%gather3A_955] in [0] : vector<16xf32>, vector<16xi32> -> vector<16xf32>
      %eq3A_957 = arith.cmpi eq, %gather3A_946, %masked_sort3A_860 : vector<16xi32>
      %lt3A_958 = arith.constant 12 : i32
      %lt3A_959 = vector.broadcast %lt3A_958 : i32 to vector<16xi32>
      %lt3A_960 = arith.cmpi slt, %iota3A, %lt3A_959 : vector<16xi32>
      %and3A_961 = arith.andi %eq3A_957, %lt3A_960 : vector<16xi1>
      %jit3A_962 = arith.constant 0.000000e+00 : f32
      %broadcast_in_dim3A_963 = vector.broadcast %jit3A_962 : f32 to vector<16xf32>
      %select_n3A_964 = arith.select %and3A_961, %gather3A_956, %broadcast_in_dim3A_963 : vector<16xi1>, vector<16xf32>
      %add3A_965 = arith.addf %add3A_930, %select_n3A_964 : vector<16xf32>
      %add3A_966 = arith.constant 8 : i32
      %add3A_967 = vector.broadcast %add3A_966 : i32 to vector<16xi32>
      %add3A_968 = arith.addi %iota3A, %add3A_967 : vector<16xi32>
      %min3A_969 = arith.constant 15 : i32
      %min3A_970 = vector.broadcast %min3A_969 : i32 to vector<16xi32>
      %min3A_971 = arith.minsi %add3A_968, %min3A_970 : vector<16xi32>
      %lt3A_972 = arith.constant 0 : i32
      %lt3A_973 = vector.broadcast %lt3A_972 : i32 to vector<16xi32>
      %lt3A_974 = arith.cmpi slt, %min3A_971, %lt3A_973 : vector<16xi32>
      %add3A_975 = arith.constant 16 : i32
      %add3A_976 = vector.broadcast %add3A_975 : i32 to vector<16xi32>
      %add3A_977 = arith.addi %min3A_971, %add3A_976 : vector<16xi32>
      %select_n3A_978 = arith.select %lt3A_974, %add3A_977, %min3A_971 : vector<16xi1>, vector<16xi32>
      %broadcast_in_dim3A_979 = vector.shape_cast %select_n3A_978 : vector<16xi32> to vector<16x1xi32>
      %gather3A_980 = vector.shape_cast %broadcast_in_dim3A_979 : vector<16x1xi32> to vector<16xi32>
      %gather3A_981 = tpu.dynamic_gather %masked_sort3A_860[%gather3A_980] in [0] : vector<16xi32>, vector<16xi32> -> vector<16xi32>
      %lt3A_982 = arith.constant 0 : i32
      %lt3A_983 = vector.broadcast %lt3A_982 : i32 to vector<16xi32>
      %lt3A_984 = arith.cmpi slt, %min3A_971, %lt3A_983 : vector<16xi32>
      %add3A_985 = arith.constant 16 : i32
      %add3A_986 = vector.broadcast %add3A_985 : i32 to vector<16xi32>
      %add3A_987 = arith.addi %min3A_971, %add3A_986 : vector<16xi32>
      %select_n3A_988 = arith.select %lt3A_984, %add3A_987, %min3A_971 : vector<16xi1>, vector<16xi32>
      %broadcast_in_dim3A_989 = vector.shape_cast %select_n3A_988 : vector<16xi32> to vector<16x1xi32>
      %gather3A_990 = vector.shape_cast %broadcast_in_dim3A_989 : vector<16x1xi32> to vector<16xi32>
      %gather3A_991 = tpu.dynamic_gather %add3A_965[%gather3A_990] in [0] : vector<16xf32>, vector<16xi32> -> vector<16xf32>
      %eq3A_992 = arith.cmpi eq, %gather3A_981, %masked_sort3A_860 : vector<16xi32>
      %lt3A_993 = arith.constant 8 : i32
      %lt3A_994 = vector.broadcast %lt3A_993 : i32 to vector<16xi32>
      %lt3A_995 = arith.cmpi slt, %iota3A, %lt3A_994 : vector<16xi32>
      %and3A_996 = arith.andi %eq3A_992, %lt3A_995 : vector<16xi1>
      %jit3A_997 = arith.constant 0.000000e+00 : f32
      %broadcast_in_dim3A_998 = vector.broadcast %jit3A_997 : f32 to vector<16xf32>
      %select_n3A_999 = arith.select %and3A_996, %gather3A_991, %broadcast_in_dim3A_998 : vector<16xi1>, vector<16xf32>
      %add3A_1000 = arith.addf %add3A_965, %select_n3A_999 : vector<16xf32>
      %sub3A_1001 = arith.constant 1 : i32
      %sub3A_1002 = vector.broadcast %sub3A_1001 : i32 to vector<16xi32>
      %sub3A_1003 = arith.subi %iota3A, %sub3A_1002 : vector<16xi32>
      %max3A_1004 = arith.constant 0 : i32
      %max3A_1005 = vector.broadcast %max3A_1004 : i32 to vector<16xi32>
      %max3A_1006 = arith.maxsi %sub3A_1003, %max3A_1005 : vector<16xi32>
      %lt3A_1007 = arith.constant 0 : i32
      %lt3A_1008 = vector.broadcast %lt3A_1007 : i32 to vector<16xi32>
      %lt3A_1009 = arith.cmpi slt, %max3A_1006, %lt3A_1008 : vector<16xi32>
      %add3A_1010 = arith.constant 16 : i32
      %add3A_1011 = vector.broadcast %add3A_1010 : i32 to vector<16xi32>
      %add3A_1012 = arith.addi %max3A_1006, %add3A_1011 : vector<16xi32>
      %select_n3A_1013 = arith.select %lt3A_1009, %add3A_1012, %max3A_1006 : vector<16xi1>, vector<16xi32>
      %broadcast_in_dim3A_1014 = vector.shape_cast %select_n3A_1013 : vector<16xi32> to vector<16x1xi32>
      %gather3A_1015 = vector.shape_cast %broadcast_in_dim3A_1014 : vector<16x1xi32> to vector<16xi32>
      %gather3A_1016 = tpu.dynamic_gather %masked_sort3A_860[%gather3A_1015] in [0] : vector<16xi32>, vector<16xi32> -> vector<16xi32>
      %eq3A_1017 = arith.constant 0 : i32
      %eq3A_1018 = vector.broadcast %eq3A_1017 : i32 to vector<16xi32>
      %eq3A_1019 = arith.cmpi eq, %iota3A, %eq3A_1018 : vector<16xi32>
      %ne3A_1020 = arith.cmpi ne, %gather3A_1016, %masked_sort3A_860 : vector<16xi32>
      %or3A_1021 = arith.ori %eq3A_1019, %ne3A_1020 : vector<16xi1>
      %shift_right_logical3A_1022 = arith.constant 7 : i32
      %shift_right_logical3A_1023 = vector.broadcast %shift_right_logical3A_1022 : i32 to vector<16xi32>
      %shift_right_logical3A_1024 = arith.shrui %masked_sort3A_860, %shift_right_logical3A_1023 : vector<16xi32>
      %and3A_1025 = arith.constant 127 : i32
      %and3A_1026 = vector.broadcast %and3A_1025 : i32 to vector<16xi32>
      %and3A_1027 = arith.andi %masked_sort3A_860, %and3A_1026 : vector<16xi32>
      tpu.vector_store_idx %arg13[%shift_right_logical3A_1024, %and3A_1027], %add3A_1000 masked %or3A_1021 {add = true} : memref<80x128xf32, #tpu.memory_space<vmem>>[vector<16xi32>, vector<16xi32>], vector<16xf32>, vector<16xi1>
    }
    %scan3A_69 = arith.constant 125 : i32
    %add3A_70 = arith.constant 10240 : i32
    %add3A_71 = vector.broadcast %add3A_70 : i32 to vector<16xi32>
    %add3A_72 = arith.addi %add3A_71, %iota3A : vector<16xi32>
    %swap3A = arith.constant 0 : index
    %swap3A_73 = tpu.vector_load %arg8[%swap3A] {strides = array<i32>} : memref<80xi32, #tpu.memory_space<vmem>>, vector<16xi32>,
    tpu.vector_store %arg8[%swap3A], %add3A_72 {strides = array<i32>} : memref<80xi32, #tpu.memory_space<vmem>>, vector<16xi32>,
    %add3A_74 = arith.constant 10256 : i32
    %add3A_75 = vector.broadcast %add3A_74 : i32 to vector<16xi32>
    %add3A_76 = arith.addi %add3A_75, %iota3A : vector<16xi32>
    %swap3A_77 = arith.constant 16 : index
    %swap3A_78 = tpu.vector_load %arg8[%swap3A_77] {strides = array<i32>} : memref<80xi32, #tpu.memory_space<vmem>>, vector<16xi32>,
    tpu.vector_store %arg8[%swap3A_77], %add3A_76 {strides = array<i32>} : memref<80xi32, #tpu.memory_space<vmem>>, vector<16xi32>,
    %add3A_79 = arith.constant 10272 : i32
    %add3A_80 = vector.broadcast %add3A_79 : i32 to vector<16xi32>
    %add3A_81 = arith.addi %add3A_80, %iota3A : vector<16xi32>
    %swap3A_82 = arith.constant 32 : index
    %swap3A_83 = tpu.vector_load %arg8[%swap3A_82] {strides = array<i32>} : memref<80xi32, #tpu.memory_space<vmem>>, vector<16xi32>,
    tpu.vector_store %arg8[%swap3A_82], %add3A_81 {strides = array<i32>} : memref<80xi32, #tpu.memory_space<vmem>>, vector<16xi32>,
    %add3A_84 = arith.constant 10288 : i32
    %add3A_85 = vector.broadcast %add3A_84 : i32 to vector<16xi32>
    %add3A_86 = arith.addi %add3A_85, %iota3A : vector<16xi32>
    %swap3A_87 = arith.constant 48 : index
    %swap3A_88 = tpu.vector_load %arg8[%swap3A_87] {strides = array<i32>} : memref<80xi32, #tpu.memory_space<vmem>>, vector<16xi32>,
    tpu.vector_store %arg8[%swap3A_87], %add3A_86 {strides = array<i32>} : memref<80xi32, #tpu.memory_space<vmem>>, vector<16xi32>,
    %add3A_89 = arith.constant 10304 : i32
    %add3A_90 = vector.broadcast %add3A_89 : i32 to vector<16xi32>
    %add3A_91 = arith.addi %add3A_90, %iota3A : vector<16xi32>
    %swap3A_92 = arith.constant 64 : index
    %swap3A_93 = tpu.vector_load %arg8[%swap3A_92] {strides = array<i32>} : memref<80xi32, #tpu.memory_space<vmem>>, vector<16xi32>,
    tpu.vector_store %arg8[%swap3A_92], %add3A_91 {strides = array<i32>} : memref<80xi32, #tpu.memory_space<vmem>>, vector<16xi32>,
    "tpu.region"() ({
      %run_scoped3A = tpu.sem_alloc : memref<!tpu.dma_semaphore, #tpu.memory_space<semaphore_mem>>
      %dma_start3A = arith.constant 0 : i32
      %dma_start3A_99 = arith.constant 0 : i32
      %dma_start3A_100 = tpu.memref_slice %arg16[%dma_start3A, %dma_start3A_99] : memref<10368x128xf32, #tpu.memory_space<vmem_shared>> -> memref<10368x128xf32, #tpu.memory_space<vmem_shared>>
      tpu.enqueue_indirect_dma source(%arg13 : memref<80x128xf32, #tpu.memory_space<vmem>>) target(%dma_start3A_100 : memref<10368x128xf32, #tpu.memory_space<vmem_shared>>) offsets(%arg8 : memref<80xi32, #tpu.memory_space<vmem>>) semaphore(%run_scoped3A : memref<!tpu.dma_semaphore, #tpu.memory_space<semaphore_mem>>) {add = true}
      %dma_wait3A = arith.constant 0 : i32
      %dma_wait3A_101 = arith.constant 0 : i32
      %dma_wait3A_102 = tpu.memref_slice %arg16[%dma_wait3A, %dma_wait3A_101] : memref<10368x128xf32, #tpu.memory_space<vmem_shared>> -> memref<10368x128xf32, #tpu.memory_space<vmem_shared>>
      tpu.wait_indirect_dma semaphore(%run_scoped3A : memref<!tpu.dma_semaphore, #tpu.memory_space<semaphore_mem>>) src(%arg13 : memref<80x128xf32, #tpu.memory_space<vmem>>) dst(%dma_wait3A_102 : memref<10368x128xf32, #tpu.memory_space<vmem_shared>>)
      tpu.yield
    }) : () -> ()
    %barrier3A_94 = arith.constant 0 : index
    tpu.barrier barrier_id(%barrier3A_94)
    %mul3A_95 = arith.constant 648 : i32
    %mul3A_96 = arith.muli %arg1, %mul3A_95 : i32
    %mul3A_97 = arith.constant 648 : i32
    %mul3A_98 = arith.muli %arg1, %mul3A_97 : i32
    "tpu.region"() ({
      %run_scoped3A = tpu.sem_alloc : memref<!tpu.dma_semaphore, #tpu.memory_space<semaphore_mem>>
      %dma_start3A = arith.constant 0 : i32
      %dma_start3A_99 = tpu.memref_slice %arg7[%arg0, %mul3A_98, %dma_start3A] : memref<2x10368x128xf32, #tpu.memory_space<hbm>> -> memref<1x648x128xf32, #tpu.memory_space<hbm>>
      %dma_start3A_100 = tpu.memref_squeeze %dma_start3A_99 : memref<1x648x128xf32, #tpu.memory_space<hbm>> -> memref<648x128xf32, #tpu.memory_space<hbm>>
      %dma_start3A_101 = arith.constant 0 : i32
      %dma_start3A_102 = tpu.memref_slice %arg16[%mul3A_96, %dma_start3A_101] : memref<10368x128xf32, #tpu.memory_space<vmem_shared>> -> memref<648x128xf32, #tpu.memory_space<vmem_shared>>
      tpu.enqueue_dma source(%dma_start3A_102 : memref<648x128xf32, #tpu.memory_space<vmem_shared>>) target(%dma_start3A_100 : memref<648x128xf32, #tpu.memory_space<hbm>>) target_semaphore(%run_scoped3A : memref<!tpu.dma_semaphore, #tpu.memory_space<semaphore_mem>>)
      %dma_wait3A = arith.constant 0 : i32
      %dma_wait3A_103 = tpu.memref_slice %arg7[%arg0, %mul3A_98, %dma_wait3A] : memref<2x10368x128xf32, #tpu.memory_space<hbm>> -> memref<1x648x128xf32, #tpu.memory_space<hbm>>
      %dma_wait3A_104 = tpu.memref_squeeze %dma_wait3A_103 : memref<1x648x128xf32, #tpu.memory_space<hbm>> -> memref<648x128xf32, #tpu.memory_space<hbm>>
      %dma_wait3A_105 = arith.constant 0 : i32
      %dma_wait3A_106 = tpu.memref_slice %arg16[%mul3A_96, %dma_wait3A_105] : memref<10368x128xf32, #tpu.memory_space<vmem_shared>> -> memref<648x128xf32, #tpu.memory_space<vmem_shared>>
      tpu.wait_dma2 semaphore(%run_scoped3A : memref<!tpu.dma_semaphore, #tpu.memory_space<semaphore_mem>>) src(%dma_wait3A_106 : memref<648x128xf32, #tpu.memory_space<vmem_shared>>) dst(%dma_wait3A_104 : memref<648x128xf32, #tpu.memory_space<hbm>>)
      tpu.yield
    }) : () -> ()
    return
  }
}

module attributes {stable_mosaic.version = 14 : i64} {
  func.func @_prep_body(%arg0: i32, %arg1: memref<1000x128xf32, #tpu.memory_space<vmem>>, %arg2: memref<128x128xf32, #tpu.memory_space<vmem>>, %arg3: memref<128x128xf32, #tpu.memory_space<vmem>>, %arg4: memref<128x128xf32, #tpu.memory_space<vmem>>, %arg5: memref<1000x128xf32, #tpu.memory_space<vmem>>, %arg6: memref<1000x128xf32, #tpu.memory_space<vmem>>, %arg7: memref<1000x128xf32, #tpu.memory_space<vmem>>) attributes {dimension_semantics = [#tpu.dimension_semantics<arbitrary>], iteration_bounds = array<i64: 10>, scalar_prefetch = 0 : i64, scratch_operands = 0 : i64, tpu.core_type = #tpu.core_type<tc>, window_params = [{transform_indices = @transform_0, window_bounds = array<i64: 1000, 128>}, {pipeline_mode = #tpu.pipeline_mode<synchronous>, transform_indices = @transform_1, window_bounds = array<i64: 128, 128>}, {pipeline_mode = #tpu.pipeline_mode<synchronous>, transform_indices = @transform_2, window_bounds = array<i64: 128, 128>}, {pipeline_mode = #tpu.pipeline_mode<synchronous>, transform_indices = @transform_3, window_bounds = array<i64: 128, 128>}, {transform_indices = @transform_4, window_bounds = array<i64: 1000, 128>}, {transform_indices = @transform_5, window_bounds = array<i64: 1000, 128>}, {transform_indices = @transform_6, window_bounds = array<i64: 1000, 128>}]} {
    %get3A = arith.constant 0 : index
    %get3A_0 = arith.constant 0 : index
    %get3A_1 = vector.load %arg1[%get3A, %get3A_0] : memref<1000x128xf32, #tpu.memory_space<vmem>>, vector<1000x128xf32>
    %get3A_2 = arith.constant 0 : index
    %get3A_3 = arith.constant 0 : index
    %get3A_4 = vector.load %arg2[%get3A_2, %get3A_3] : memref<128x128xf32, #tpu.memory_space<vmem>>, vector<128x128xf32>
    %dot_general3A = arith.constant dense<0.000000e+00> : vector<1000x128xf32>
    %dot_general3A_5 = tpu.matmul %get3A_1, %get3A_4, %dot_general3A {dimension_numbers = #tpu.dot_dimension_numbers<[1], [0], [0], [1], [0, 0, 1, 1], [], []>, precision = #tpu.contract_precision<fp32>, transpose_lhs_hint = false} : vector<1000x128xf32>, vector<128x128xf32>, vector<1000x128xf32> -> vector<1000x128xf32>
    %get3A_6 = arith.constant 0 : index
    %get3A_7 = arith.constant 0 : index
    %get3A_8 = vector.load %arg3[%get3A_6, %get3A_7] : memref<128x128xf32, #tpu.memory_space<vmem>>, vector<128x128xf32>
    %dot_general3A_9 = arith.constant dense<0.000000e+00> : vector<1000x128xf32>
    %dot_general3A_10 = tpu.matmul %get3A_1, %get3A_8, %dot_general3A_9 {dimension_numbers = #tpu.dot_dimension_numbers<[1], [0], [0], [1], [0, 0, 1, 1], [], []>, precision = #tpu.contract_precision<fp32>, transpose_lhs_hint = false} : vector<1000x128xf32>, vector<128x128xf32>, vector<1000x128xf32> -> vector<1000x128xf32>
    %swap3A = arith.constant 0 : index
    %swap3A_11 = arith.constant 0 : index
    %swap3A_12 = vector.load %arg6[%swap3A, %swap3A_11] : memref<1000x128xf32, #tpu.memory_space<vmem>>, vector<1000x128xf32>
    tpu.vector_store %arg6[%swap3A, %swap3A_11], %dot_general3A_10 {strides = array<i32>} : memref<1000x128xf32, #tpu.memory_space<vmem>>, vector<1000x128xf32>,
    %get3A_13 = arith.constant 0 : index
    %get3A_14 = arith.constant 0 : index
    %get3A_15 = vector.load %arg4[%get3A_13, %get3A_14] : memref<128x128xf32, #tpu.memory_space<vmem>>, vector<128x128xf32>
    %dot_general3A_16 = arith.constant dense<0.000000e+00> : vector<1000x128xf32>
    %dot_general3A_17 = tpu.matmul %get3A_1, %get3A_15, %dot_general3A_16 {dimension_numbers = #tpu.dot_dimension_numbers<[1], [0], [0], [1], [0, 0, 1, 1], [], []>, precision = #tpu.contract_precision<fp32>, transpose_lhs_hint = false} : vector<1000x128xf32>, vector<128x128xf32>, vector<1000x128xf32> -> vector<1000x128xf32>
    %swap3A_18 = arith.constant 0 : index
    %swap3A_19 = arith.constant 0 : index
    %swap3A_20 = vector.load %arg7[%swap3A_18, %swap3A_19] : memref<1000x128xf32, #tpu.memory_space<vmem>>, vector<1000x128xf32>
    tpu.vector_store %arg7[%swap3A_18, %swap3A_19], %dot_general3A_17 {strides = array<i32>} : memref<1000x128xf32, #tpu.memory_space<vmem>>, vector<1000x128xf32>,
    %swap3A_21 = arith.constant 0 : index
    %swap3A_22 = arith.constant 0 : index
    %swap3A_23 = vector.load %arg5[%swap3A_21, %swap3A_22] : memref<1000x128xf32, #tpu.memory_space<vmem>>, vector<1000x128xf32>
    tpu.vector_store %arg5[%swap3A_21, %swap3A_22], %dot_general3A_5 {strides = array<i32>} : memref<1000x128xf32, #tpu.memory_space<vmem>>, vector<1000x128xf32>,
    return
  }
  func.func @transform_0(%arg0: i32) -> (i32, i32) {
    %c0_i32 = arith.constant 0 : i32
    %c0_i32_0 = arith.constant 0 : i32
    return %arg0, %c0_i32 : i32, i32
  }
  func.func @transform_1(%arg0: i32) -> (i32, i32) {
    %c0_i32 = arith.constant 0 : i32
    %c0_i32_0 = arith.constant 0 : i32
    %c0_i32_1 = arith.constant 0 : i32
    return %c0_i32, %c0_i32_0 : i32, i32
  }
  func.func @transform_2(%arg0: i32) -> (i32, i32) {
    %c0_i32 = arith.constant 0 : i32
    %c0_i32_0 = arith.constant 0 : i32
    %c0_i32_1 = arith.constant 0 : i32
    return %c0_i32, %c0_i32_0 : i32, i32
  }
  func.func @transform_3(%arg0: i32) -> (i32, i32) {
    %c0_i32 = arith.constant 0 : i32
    %c0_i32_0 = arith.constant 0 : i32
    %c0_i32_1 = arith.constant 0 : i32
    return %c0_i32, %c0_i32_0 : i32, i32
  }
  func.func @transform_4(%arg0: i32) -> (i32, i32) {
    %c0_i32 = arith.constant 0 : i32
    %c0_i32_0 = arith.constant 0 : i32
    return %arg0, %c0_i32 : i32, i32
  }
  func.func @transform_5(%arg0: i32) -> (i32, i32) {
    %c0_i32 = arith.constant 0 : i32
    %c0_i32_0 = arith.constant 0 : i32
    return %arg0, %c0_i32 : i32, i32
  }
  func.func @transform_6(%arg0: i32) -> (i32, i32) {
    %c0_i32 = arith.constant 0 : i32
    %c0_i32_0 = arith.constant 0 : i32
    return %arg0, %c0_i32 : i32, i32
  }
}

module attributes {stable_mosaic.version = 14 : i64} {
  func.func @_final_body(%arg0: i32, %arg1: memref<2x1024x128xf32, #tpu.memory_space<vmem>>, %arg2: memref<1024x128xf32, #tpu.memory_space<vmem>>, %arg3: memref<1024x128xf32, #tpu.memory_space<vmem>>, %arg4: memref<1x128xf32, #tpu.memory_space<vmem>>, %arg5: memref<128x128xf32, #tpu.memory_space<vmem>>, %arg6: memref<1x128xf32, #tpu.memory_space<vmem>>, %arg7: memref<1024x128xf32, #tpu.memory_space<vmem>>) attributes {dimension_semantics = [#tpu.dimension_semantics<arbitrary>], iteration_bounds = array<i64: 10>, scalar_prefetch = 0 : i64, scratch_operands = 0 : i64, tpu.core_type = #tpu.core_type<tc>, window_params = [{transform_indices = @transform_0, window_bounds = array<i64: 2, 1024, 128>}, {transform_indices = @transform_1, window_bounds = array<i64: 1024, 128>}, {transform_indices = @transform_2, window_bounds = array<i64: 1024, 128>}, {pipeline_mode = #tpu.pipeline_mode<synchronous>, transform_indices = @transform_3, window_bounds = array<i64: 1, 128>}, {pipeline_mode = #tpu.pipeline_mode<synchronous>, transform_indices = @transform_4, window_bounds = array<i64: 128, 128>}, {pipeline_mode = #tpu.pipeline_mode<synchronous>, transform_indices = @transform_5, window_bounds = array<i64: 1, 128>}, {transform_indices = @transform_6, window_bounds = array<i64: 1024, 128>}]} {
    %get3A = arith.constant 0 : index
    %get3A_0 = arith.constant 0 : index
    %get3A_1 = arith.constant 0 : index
    %get3A_2 = vector.load %arg1[%get3A, %get3A_0, %get3A_1] : memref<2x1024x128xf32, #tpu.memory_space<vmem>>, vector<1x1024x128xf32>
    %get3A_3 = vector.shape_cast %get3A_2 : vector<1x1024x128xf32> to vector<1024x128xf32>
    %get3A_4 = arith.constant 1 : index
    %get3A_5 = arith.constant 0 : index
    %get3A_6 = arith.constant 0 : index
    %get3A_7 = vector.load %arg1[%get3A_4, %get3A_5, %get3A_6] : memref<2x1024x128xf32, #tpu.memory_space<vmem>>, vector<1x1024x128xf32>
    %get3A_8 = vector.shape_cast %get3A_7 : vector<1x1024x128xf32> to vector<1024x128xf32>
    %add3A = arith.addf %get3A_3, %get3A_8 : vector<1024x128xf32>
    %get3A_9 = arith.constant 0 : index
    %get3A_10 = arith.constant 0 : index
    %get3A_11 = vector.load %arg3[%get3A_9, %get3A_10] : memref<1024x128xf32, #tpu.memory_space<vmem>>, vector<1024x128xf32>
    %add3A_12 = arith.constant 9.99999971E-10 : f32
    %add3A_13 = vector.broadcast %add3A_12 : f32 to vector<1024x128xf32>
    %add3A_14 = arith.addf %get3A_11, %add3A_13 : vector<1024x128xf32>
    %div3A = arith.divf %add3A, %add3A_14 : vector<1024x128xf32>
    %get3A_15 = arith.constant 0 : index
    %get3A_16 = arith.constant 0 : index
    %get3A_17 = vector.load %arg4[%get3A_15, %get3A_16] : memref<1x128xf32, #tpu.memory_space<vmem>>, vector<1x128xf32>
    %add3A_18 = vector.broadcast %get3A_17 : vector<1x128xf32> to vector<1024x128xf32>
    %add3A_19 = arith.addf %div3A, %add3A_18 : vector<1024x128xf32>
    %mul3A = arith.constant 2.000000e-01 : f32
    %mul3A_20 = vector.broadcast %mul3A : f32 to vector<1024x128xf32>
    %mul3A_21 = arith.mulf %mul3A_20, %add3A_19 : vector<1024x128xf32>
    %max3A = arith.maximumf %add3A_19, %mul3A_21 : vector<1024x128xf32>
    %get3A_22 = arith.constant 0 : index
    %get3A_23 = arith.constant 0 : index
    %get3A_24 = vector.load %arg2[%get3A_22, %get3A_23] : memref<1024x128xf32, #tpu.memory_space<vmem>>, vector<1024x128xf32>
    %get3A_25 = arith.constant 0 : index
    %get3A_26 = arith.constant 0 : index
    %get3A_27 = vector.load %arg6[%get3A_25, %get3A_26] : memref<1x128xf32, #tpu.memory_space<vmem>>, vector<1x128xf32>
    %add3A_28 = vector.broadcast %get3A_27 : vector<1x128xf32> to vector<1024x128xf32>
    %add3A_29 = arith.addf %get3A_24, %add3A_28 : vector<1024x128xf32>
    %get3A_30 = arith.constant 0 : index
    %get3A_31 = arith.constant 0 : index
    %get3A_32 = vector.load %arg5[%get3A_30, %get3A_31] : memref<128x128xf32, #tpu.memory_space<vmem>>, vector<128x128xf32>
    %dot_general3A = arith.constant dense<0.000000e+00> : vector<1024x128xf32>
    %dot_general3A_33 = tpu.matmul %max3A, %get3A_32, %dot_general3A {dimension_numbers = #tpu.dot_dimension_numbers<[1], [0], [0], [1], [0, 0, 1, 1], [], []>, precision = #tpu.contract_precision<fp32>, transpose_lhs_hint = false} : vector<1024x128xf32>, vector<128x128xf32>, vector<1024x128xf32> -> vector<1024x128xf32>
    %add3A_34 = arith.addf %add3A_29, %dot_general3A_33 : vector<1024x128xf32>
    %swap3A = arith.constant 0 : index
    %swap3A_35 = arith.constant 0 : index
    %swap3A_36 = vector.load %arg7[%swap3A, %swap3A_35] : memref<1024x128xf32, #tpu.memory_space<vmem>>, vector<1024x128xf32>
    tpu.vector_store %arg7[%swap3A, %swap3A_35], %add3A_34 {strides = array<i32>} : memref<1024x128xf32, #tpu.memory_space<vmem>>, vector<1024x128xf32>,
    return
  }
  func.func @transform_0(%arg0: i32) -> (i32, i32, i32) {
    %c0_i32 = arith.constant 0 : i32
    %c0_i32_0 = arith.constant 0 : i32
    %c0_i32_1 = arith.constant 0 : i32
    return %c0_i32, %arg0, %c0_i32_0 : i32, i32, i32
  }
  func.func @transform_1(%arg0: i32) -> (i32, i32) {
    %c0_i32 = arith.constant 0 : i32
    %c0_i32_0 = arith.constant 0 : i32
    return %arg0, %c0_i32 : i32, i32
  }
  func.func @transform_2(%arg0: i32) -> (i32, i32) {
    %c0_i32 = arith.constant 0 : i32
    %c0_i32_0 = arith.constant 0 : i32
    return %arg0, %c0_i32 : i32, i32
  }
  func.func @transform_3(%arg0: i32) -> (i32, i32) {
    %c0_i32 = arith.constant 0 : i32
    %c0_i32_0 = arith.constant 0 : i32
    %c0_i32_1 = arith.constant 0 : i32
    return %c0_i32, %c0_i32_0 : i32, i32
  }
  func.func @transform_4(%arg0: i32) -> (i32, i32) {
    %c0_i32 = arith.constant 0 : i32
    %c0_i32_0 = arith.constant 0 : i32
    %c0_i32_1 = arith.constant 0 : i32
    return %c0_i32, %c0_i32_0 : i32, i32
  }
  func.func @transform_5(%arg0: i32) -> (i32, i32) {
    %c0_i32 = arith.constant 0 : i32
    %c0_i32_0 = arith.constant 0 : i32
    %c0_i32_1 = arith.constant 0 : i32
    return %c0_i32, %c0_i32_0 : i32, i32
  }
  func.func @transform_6(%arg0: i32) -> (i32, i32) {
    %c0_i32 = arith.constant 0 : i32
    %c0_i32_0 = arith.constant 0 : i32
    return %arg0, %c0_i32 : i32, i32
  }
}

</mosaic_0001>

<sc_bundles>
// kernel: kernel.5.cloned.1.call-start
scs
__scs_entry_jumppad:
0x0: {  	(pc) =	sbr.rel $0x88, $3  }
0x1: {  	(tag) =	ssettag $0x0;
	lr =	simm.s32 $0x1  }
0x2: {  	[smem:$0x3F97] =	sst lr;
	_ =	strace $0xD0000000  }
0x3: {  	_ = 	snop  }
0x4: {  	_ = 	snop  }
0x5: {  	_ = 	snop  }
0x6: {  	_ = 	snop  }
0x7: {  	_ = 	snop  }
__scs_overlays_trampoline_lowered:
0x8: {  	[smem:$0x3FA6] =	sst s0  }
0x9: {  	[smem:$0x3FA7] =	sst s1  }
0xa: {  	[smem:$0x3FA8] =	sst s2  }
0xb: {  	[smem:$0x3FA9] =	sst s3  }
0xc: {  	[smem:$0x3FAA] =	sst s4  }
0xd: {  	[smem:$0x3FAB] =	sst s5  }
0xe: {  	[smem:$0x3FAC] =	sst s6  }
0xf: {  	[smem:$0x3FAD] =	sst s7  }
0x10: {  	[smem:$0x3FAE] =	sst s8  }
0x11: {  	[smem:$0x3FAF] =	sst s9;
	s0 =	simm.s32 @!p0 $0x0  }
0x12: {  	s1 =	sld [smem:$0x3F95];
	s0 =	simm.s32 @p0 $0x1  }
0x13: {  	[smem:$0x3FB0] =	sst s0;
	s0 =	simm.s32 @!p1 $0x0  }
0x14: {  	s2 =	sld [smem:$0x3F94];
	s0 =	simm.s32 @p1 $0x1  }
0x15: {  	[smem:$0x3FB1] =	sst s0;
	s0 =	simm.s32 @!p2 $0x0  }
0x16: {  	s3 =	sld [smem:$0x3FDB];
	s0 =	simm.s32 @p2 $0x1  }
0x17: {  	s4 =	simm.s32 $0x1BF5;
	[smem:$0x3FB3] =	sst s0  }
0x18: {  	s0 =	sld [smem:$0x3F96];
	_ =	swait.ge [sflag:s4], $0x0  }
0x19: {  	s7 =	sld [smem:$0x3F97]  }
0x1a: {  	s8 =	sadd.s32 $0xFFFFE003, lr  }
0x1b: {  	s9 =	sadd.s32 $0xFFFFFEF7, lr;
	s5 =	simm.s32 $0xFFFFFFFF;
	p2 =	slt.u32 s8, $0xFFFFF086  }
0x1c: {  	p1 =	slt.u32 s9, $0xF7A;
	s5 =	simm.s32 @!p2 $0x0  }
0x1d: {  	s5 =	simm.s32 @p1 $0x1;
	p0 =	seq.s32 s7, s2  }
0x1e: {  	s7 =	smul.u32 @!p0 $0xF7A, s2;
	p2 =	seq.s32 @!p0 s5, $0x0  }
0x1f: {  	s9 =	smul.u32 $0xF7A, s1;
	s8 =	simm.s32 @!p0 $0x1BF5;
	p2 =	por !p2, p0  }
0x20: {  	[sflag:s8] =	ssyncset.s32 @!p0 $0xFFFFF086;
	s6 =	sadd.s32 @!p0 s3, s7;
	s7 =	simm.s32 @!p0 $0x108  }
0x21: {  	s3 =	sadd.s32 s3, s9;
	s6 =	sadd.s32 @!p0 $0x88, s6;
	s7 =	simm.s32 @p2 $0x1082  }
0x22: {  	[simem:s7], [sflag:s8] =	dma.local @!p0 [hbm:s6], $0xF7A  }
0x23: {  	s9 =	sor.u32 $0xD0000000, s2;
	s6 =	simm.s32 $0x108;
	_ =	swait.ge @!p0 [sflag:s8], $0x0  }
0x24: {  	s3 =	sadd.s32 $0x88, s3;
	s6 =	simm.s32 @!p1 $0x1082;
	[sflag:s4] =	ssyncset.s32 $0xFFFFF086  }
0x25: {  	[simem:s6], [sflag:s4] =	dma.local [hbm:s3], $0xF7A  }
0x26: {  	[smem:$0x3F97] =	sst s1;
	(tag) =	ssettag s2;
	_ =	strace s9  }
0x27: {  	s1 =	sld [smem:$0x3FA7]  }
0x28: {  	s2 =	sld [smem:$0x3FA8]  }
0x29: {  	s4 =	sld [smem:$0x3FAA]  }
0x2a: {  	p0 =	seq.s32 s5, $0x0;
	s5 =	sld [smem:$0x3FAB]  }
0x2b: {  	s6 =	sld [smem:$0x3FAC]  }
0x2c: {  	s7 =	sld [smem:$0x3FAD]  }
0x2d: {  	s3 =	simm.s32 $0x108;
	s8 =	sld [smem:$0x3FAE]  }
0x2e: {  	s3 =	simm.s32 @!p0 $0x1082;
	s9 =	sld [smem:$0x3FAF]  }
0x2f: {  	lr =	sadd.s32 s0, s3;
	s0 =	sld [smem:$0x3FA6]  }
0x30: {  	s3 =	sld [smem:$0x3FA9]  }
0x31: {  	[smem:$0x3FB2] =	sst s10  }
0x32: {  	s10 =	sld [smem:$0x3FB0];
	_ =	sdelay $0x3  }
0x33: {  	p0 =	seq.s32 s10, $0x1;
	s10 =	sld [smem:$0x3FB2];
	_ =	sdelay $0x3  }
0x34: {  	[smem:$0x3FB2] =	sst s10  }
0x35: {  	s10 =	sld [smem:$0x3FB1];
	_ =	sdelay $0x3  }
0x36: {  	p1 =	seq.s32 s10, $0x1;
	s10 =	sld [smem:$0x3FB2];
	_ =	sdelay $0x3  }
0x37: {  	[smem:$0x3FB2] =	sst s10  }
0x38: {  	s10 =	sld [smem:$0x3FB3]  }
0x39: {  	_ = 	snop;
	(pc) =	sbr.ind lr, $3  }
0x3a: {  	_ = 	snop  }
0x3b: {  	_ = 	snop  }
0x3c: {  	p2 =	seq.s32 s10, $0x1;
	s10 =	sld [smem:$0x3FB2]  }
0x3d: {  	_ =	shalt  }
0x3e: {  	_ =	shalt  }
0x3f: {  	_ =	shalt  }
0x40: {  	_ =	shalt  }
0x41: {  	_ =	shalt  }
0x42: {  	_ =	shalt  }
0x43: {  	_ =	shalt  }
0x44: {  	_ =	shalt  }
0x45: {  	_ =	shalt  }
0x46: {  	_ =	shalt  }
0x47: {  	_ =	shalt  }
0x48: {  	_ =	shalt  }
0x49: {  	_ =	shalt  }
0x4a: {  	_ =	shalt  }
0x4b: {  	_ =	shalt  }
0x4c: {  	_ =	shalt  }
0x4d: {  	_ =	shalt  }
0x4e: {  	_ =	shalt  }
0x4f: {  	_ =	shalt  }
0x50: {  	_ =	shalt  }
0x51: {  	_ =	shalt  }
0x52: {  	_ =	shalt  }
0x53: {  	_ =	shalt  }
0x54: {  	_ =	shalt  }
0x55: {  	_ =	shalt  }
0x56: {  	_ =	shalt  }
0x57: {  	_ =	shalt  }
0x58: {  	_ =	shalt  }
0x59: {  	_ =	shalt  }
0x5a: {  	_ =	shalt  }
0x5b: {  	_ =	shalt  }
0x5c: {  	_ =	shalt  }
0x5d: {  	_ =	shalt  }
0x5e: {  	_ =	shalt  }
0x5f: {  	_ =	shalt  }
0x60: {  	_ =	shalt  }
0x61: {  	_ =	shalt  }
0x62: {  	_ =	shalt  }
0x63: {  	_ =	shalt  }
0x64: {  	_ =	shalt  }
0x65: {  	_ =	shalt  }
0x66: {  	_ =	shalt  }
0x67: {  	_ =	shalt  }
0x68: {  	_ =	shalt  }
0x69: {  	_ =	shalt  }
0x6a: {  	_ =	shalt  }
0x6b: {  	_ =	shalt  }
0x6c: {  	_ =	shalt  }
0x6d: {  	_ =	shalt  }
0x6e: {  	_ =	shalt  }
0x6f: {  	_ =	shalt  }
0x70: {  	_ =	shalt  }
0x71: {  	_ =	shalt  }
0x72: {  	_ =	shalt  }
0x73: {  	_ =	shalt  }
0x74: {  	_ =	shalt  }
0x75: {  	_ =	shalt  }
0x76: {  	_ =	shalt  }
0x77: {  	_ =	shalt  }
0x78: {  	_ =	shalt  }
0x79: {  	_ =	shalt  }
0x7a: {  	_ =	shalt  }
0x7b: {  	_ =	shalt  }
0x7c: {  	_ =	shalt  }
0x7d: {  	_ =	shalt  }
0x7e: {  	_ =	shalt  }
0x7f: {  	_ =	shalt  }
0x80: {  	_ =	shalt  }
0x81: {  	_ =	shalt  }
0x82: {  	_ =	shalt  }
0x83: {  	_ =	shalt  }
0x84: {  	_ =	shalt  }
0x85: {  	_ =	shalt  }
0x86: {  	_ =	shalt  }
0x87: {  	_ =	shalt  }
.Lfunc_end0:
.L_simem_size_0:
called_computation_lowered:
.L_overlay_start_0:
0x88: {  	s2 =	sld [smem:$0x3FD9]  }
0x89: {  	s3 =	sld [smem:$0x3FFE];
	_ =	sdelay $0x1  }
0x8a: {  	s1 =	srdreg.scid  }
0x8b: {  	s0 =	sand.u32 $0x1, s1  }
0x8c: {  	s17 =	sshll.u32 s0, $0xA;
	s2 =	sadd.s32 s3, s2  }
0x8d: {  	s2 =	sadd.s32 s2, s17  }
0x8e: {  	[smem:$0x3FBE] =	sst s2  }
0x8f: {  	_ = 	snop  }
0x90: {  	s2 =	sld [smem:$0x3FC5]  }
0x91: {  	s18 =	sld [smem:$0x3FD0];
	(tm) =	ssettm $0x1  }
0x92: {  	s4 =	sld [smem:$0x3FFB];
	_ =	sdelay $0x3  }
0x93: {  	_ =	strace s4  }
0x94: {  	s4 =	sld [smem:$0x3FFC];
	_ =	sdelay $0x3  }
0x95: {  	_ =	strace s4  }
0x96: {  	s4 =	sld [smem:$0x3FFD];
	_ =	sdelay $0x3  }
0x97: {  	_ =	strace s4  }
0x98: {  	_ =	strace $0x8FFFFFFF  }
0x99: {  	s19 =	sld [smem:$0x3FDB];
	_ =	sdelay $0x1  }
0x9a: {  	s5 =	simm.s32 $_scs_section_size  }
0x9b: {  	s6 =	simm.s32 $_size__tile_overlayer_lowered;
	s7 =	simm.s32 $_tile_overlayer_lowered  }
0x9c: {  	s22 =	simm.s32 $0x1BFF;
	s21 =	sshll.u32 s7, $0x1;
	s4 =	sadd.s32 s5, s19  }
0x9d: {  	s8 =	simm.s32 $0x0;
	s20 =	sshll.u32 s6, $0x1;
	s6 =	sadd.s32 s21, s4  }
0x9e: {  	[timem:s8], [sflag:s22] =	dma.local [hbm:s6], s20  }
0x9f: {  	_ =	swait.ge [sflag:s22], s20  }
0xa0: {  	s5 =	ssub.s32 $0x0, s20;
	[sflag:s22] =	ssyncset.done $0x0  }
0xa1: {  	[sflag:s22] =	ssyncadd.s32 s5;
	_ =	sdelay $0x1  }
0xa2: {  	s23 =	simm.s32 $0x1B8B  }
0xa3: {  	_ =	swait.ge [sflag:s23], $0x1  }
0xa4: {  	[sflag:s23] =	ssyncset.done $0x0  }
0xa5: {  	s25 =	simm.s32 $0x1B8E;
	s24 =	sld [smem:$0x3FFE];
	[sflag:s23] =	ssyncadd.s32 $0xFFFFFFFF  }
0xa6: {  	s26 =	simm.s32 $execute0_lowered;
	[smem:$0x3FD2] =	sst s25  }
0xa7: {  	s6 =	sshll.u32 s26, $0x1;
	_ =	strace $0x80000046;
	[dreg:$0x1] =	wrdreg $0xFFFFFFFF  }
0xa8: {  	s28 =	simm.s32 $_size_execute0_lowered;
	s4 =	sadd.s32 s4, s6;
	[dreg:$0x0] =	wrdreg $0x0  }
0xa9: {  	s6 =	sshll.u32 s28, $0x1;
	[dreg:$0x2] =	wrdreg s4  }
0xaa: {  	[dreg:$0x3] =	wrdreg s6  }
0xab: {  	[dreg:$0x4] =	wrdreg $0xC0  }
0xac: {  	_ =	task [dreg:s8], $0x5FFFF  }
0xad: {  	[dreg:$0x1] =	wrdreg $0xFFFFFFFF  }
0xae: {  	[dreg:$0x0] =	wrdreg $0x60  }
0xaf: {  	[dreg:$0x2] =	wrdreg s18  }
0xb0: {  	[dreg:$0x3] =	wrdreg s24  }
0xb1: {  	[dreg:$0x4] =	wrdreg s2  }
0xb2: {  	[dreg:$0x5] =	wrdreg $0xA2800  }
0xb3: {  	[dreg:$0x6] =	wrdreg $0x9  }
0xb4: {  	_ =	task.clear_ibuf [dreg:s8], $0x7FFFF;
	_ =	strace $0x90000046  }
0xb5: {  	s29 =	simm.s32 $0x9;
	_ =	strace $0x80000048  }
0xb6: {  	_ =	swait.ge [sflag:s29], $0x1  }
0xb7: {  	[sflag:s29] =	ssyncadd.s32 $0xFFFFFFFF  }
0xb8: {  	_ =	strace $0x90000048  }
0xb9: {  	_ =	sfence  }
0xba: {  	s30 =	sld [smem:$0x0];
	_ =	sdelay $0x2  }
0xbb: {  	s31 =	sshll.u32 s1, $0xD;
	s1 =	sshrl.u32 s1, $0x2  }
0xbc: {  	s3 =	sand.u32 $0x4000, s31;
	s1 =	sadd.s32 s1, s30  }
0xbd: {  	s0 =	sor.u32 s3, s0;
	s1 =	sshll.u32 s1, $0x11  }
0xbe: {  	s0 =	sor.u32 s1, s0  }
0xbf: {  	s0 =	sadd.s32 $0x8F2B, s0  }
0xc0: {  	[sflag:s0] =	ssyncadd.remote.s32 $0x1  }
0xc1: {  	_ =	sfence.sel $0xFFFF  }
0xc2: {  	[dreg:$0x0] =	wrdreg $0xFFFFFFFF;
	(pc) =	sbr.abs _section_cstart, $3  }
0xc3: {  	[dreg:$0x1] =	wrdreg $0xFFFFFFFF  }
0xc4: {  	_ =	task.clear_ibuf [dreg:s8], $0x2FFFF;
	_ =	strace $0x9FFFFFFF  }
0xc5: {  	(tm) =	ssettm $0x7FFFFFFF  }
tec
execute0_lowered:
.L_overlay_start_1:
0x0: {  	(tag) =	ssettag $0x1  }
0x1: {  	v0 =	vimm.s32 $0xFEDCBA98;
	v1 =	vimm.s32 $0x76543210;
	v2 =	vimm.s32 $0xBA98FEDC  }
0x2: {  	v3 =	vimm.s32 $0x32107654;
	v4 =	vimm.s32 $0xDCFE98BA;
	v5 =	vimm.s32 $0x54761032  }
0x3: {  	v6 =	vimm.s32 $0xEFCDAB89;
	v7 =	vimm.s32 $0xFFFEDCBA;
	v8 =	vimm.s32 $0x98765432  }
0x4: {  	v19 =	vlaneseq.u32;
	vm0 =	vmmov $0x7fff;
	v12 =	vimm.s32 $0x65432100  }
0x5: {  	vm3 =	vcmask $0x1F00;
	vm2 =	vcmask $0x2F20;
	vm1 =	vmmov $0x3fff  }
0x6: {  	vm4 =	vmmov $0x1;
	v0 =	vunpack.c.l.s4.s8 v0;
	v1 =	vunpack.c.l.s4.s8 v1  }
0x7: {  	v2 =	vunpack.c.l.s4.s8 v2;
	v3 =	vunpack.c.l.s4.s8 v3;
	v4 =	vunpack.c.l.s4.s8 v4  }
0x8: {  	v5 =	vunpack.c.l.s4.s8 v5;
	v6 =	vunpack.c.l.s4.s8 v6;
	v12 =	vunpack.c.l.s4.s8 v12  }
0x9: {  	v15 =	vor.u32 $0x2800, v19;
	v16 =	vor.u32 $0x2810, v19;
	v0 =	vunpack.c.0.s8.s32 v0  }
0xa: {  	v1 =	vunpack.c.0.s8.s32 v1;
	v2 =	vunpack.c.0.s8.s32 v2;
	v3 =	vunpack.c.0.s8.s32 v3  }
0xb: {  	s0 =	rddreg [dreg:$0x0];
	v4 =	vunpack.c.0.s8.s32 v4;
	v5 =	vunpack.c.0.s8.s32 v5;
	v9 =	vand.u32 $0xF, v0  }
0xc: {  	s1 =	rddreg [dreg:$0x1];
	v17 =	vor.u32 $0x2820, v19;
	v18 =	vor.u32 $0x2830, v19;
	v0 =	vcombine.low v9, v1  }
0xd: {  	s3 =	rddreg [dreg:$0x3];
	s2 =	srdreg.scid;
	s5 =	simm.s32 $0x0;
	v1 =	vcombine.low v3, v2;
	v2 =	vcombine.low v5, v4;
	v3 =	vimm.s32 $0x67452301  }
0xe: {  	s11 =	stileid.u32;
	s21 =	simm.s32 $0x7E80;
	s22 =	simm.s32 $0x2;
	v4 =	vunpack.c.0.s8.s32 v6;
	v5 =	vimm.s32 $0xFFEDCBA9;
	v3 =	vunpack.c.l.s4.s8 v3  }
0xf: {  	s28 =	simm.s32 $0x1;
	s29 =	simm.s32 $0x2900;
	s30 =	simm.s32 $0x5100;
	v6 =	vimm.s32 $0x87654321;
	v9 =	vnsel vm3, $0xF, v9;
	v5 =	vunpack.c.l.s4.s8 v5  }
0x10: {  	s31 =	simm.s32 $0x5600;
	s2 =	sand.u32 $0x1, s2;
	s24 =	smul.u32 $0x14400, s11;
	v6 =	vunpack.c.l.s4.s8 v6;
	v10 =	vunpack.c.0.s8.s32 v3;
	v3 =	vunpack.c.l.s4.s8 v7  }
0x11: {  	[smem:$0x7FF] =	sst s5;
	s6 =	sadd.s32 $0x14E00, s1;
	s25 =	smul.u32 $0x51000, s11;
	v7 =	vunpack.c.l.s4.s8 v8;
	v5 =	vunpack.c.0.s8.s32 v5;
	v8 =	vimm.s32 $0xBA987654  }
0x12: {  	s7 =	sadd.s32 $0xB000, s1;
	s8 =	sadd.s32 $0x1200, s1;
	s4 =	smul.u32 $0x144000, s2;
	v6 =	vunpack.c.0.s8.s32 v6;
	v8 =	vunpack.c.l.s4.s8 v8;
	v11 =	vunpack.c.0.s8.s32 v3  }
0x13: {  	_ =	strace $0x80000047;
	s26 =	ssub.s32 $0x2, s2;
	s2 =	sshll.u32 s2, $0x4;
	v7 =	vunpack.c.0.s8.s32 v7;
	v3 =	vimm.f32 $0.0e+00;
	v4 =	vcombine.low v10, v4  }
0x14: {  	s5 =	sshrl.u32 s25, $0x2;
	s10 =	sshrl.u32 s26, $0x1;
	s2 =	sor.u32 s11, s2;
	v6 =	vcombine.low v6, v5;
	v5 =	vmul.u32 $0x10, v19;
	v10 =	vimm.s32 $0xEDCBA987  }
0x15: {  	s25 =	simm.s32 $0x50;
	s4 =	sadd.s32 s24, s4;
	s9 =	sadd.s32 s5, s3;
	v19 =	vor.u32 $0x2840, v19;
	v8 =	vunpack.c.0.s8.s32 v8;
	v10 =	vunpack.c.l.s4.s8 v10  }
0x16: {  	s18 =	smul.u32 $0x2710, s2;
	s24 =	simm.s32 $0x80;
	s2 =	simm.s32 $0x0;
	v7 =	vcombine.low v7, v11;
	v6 =	vand.u32 $0xF, v6;
	v11 =	vimm.s32 $0xF0E0D0C  }
0x17: {  	s4 =	sshrl.u32 s4, $0x3;
	s5 =	sadd.s32 $0x2400, s9;
	s11 =	sadd.s32 $0x4800, s9;
	v13 =	vor.u32 $0x300, v5;
	v8 =	vand.u32 $0xF, v8;
	v11 =	vunpack.c.0.s8.s32 v11  }
0x18: {  	s12 =	sadd.s32 $0x6C00, s9;
	s13 =	sadd.s32 $0x9000, s9;
	s14 =	sadd.s32 $0xB400, s9;
	v14 =	vor.u32 $0x400, v5;
	v10 =	vunpack.c.0.s8.s32 v10;
	v8 =	vnsel vm3, $0xF, v8  }
0x19: {  	s15 =	sadd.s32 $0xD800, s9;
	s16 =	sadd.s32 $0xFC00, s9;
	s17 =	sadd.s32 $0x12000, s9;
	v7 =	vand.u32 $0xF, v7;
	v8 =	vsel vm2, v11, v8;
	v11 =	vunpack.c.0.s8.s32 v12  }
0x1a: {  	s1 =	sadd.s32 s4, s1;
	s4 =	ssub.s32 s26, s10;
	[dreg:$0x5] =	wrdreg s5;
	vm3 =	vmmov $0xff;
	vm2 =	vmmov $0xfff;
	v10 =	vand.u32 $0xF, v10  }
0x1b: {  	s26 =	simm.s32 $0x100;
	s19 =	sadd.s32 $0x3C000, s1;
	s20 =	smax.u32 s4, $0x1;
	v12 =	vor.u32 $0x200, v5;
	v10 =	vcombine.low v11, v10;
	v11 =	vor.u32 $0x100, v5  }
.LBB2_1:
0x1c: {  	s1 =	simm.s32 $0x0;
	s4 =	simm.s32 $0x200  }
.LBB2_2:
0x1d: {  	p0 =	sne.s32 s4, $0x8E00;
	[tilespmem:s1+$0x7EF0] =	vst v3  }
0x1e: {  	[tilespmem:s1+$0x7E80] =	vst v3  }
0x1f: {  	[tilespmem:s1+$0x7E90] =	vst v3  }
.Ltmp0:
0x20: {  	[tilespmem:s1+$0x7EA0] =	vst v3;
	(pc) =	sbr.rel @p0 .LBB2_2-.Ltmp0, $4  }
0x21: {  	[tilespmem:s1+$0x7EB0] =	vst v3  }
0x22: {  	[tilespmem:s1+$0x7EC0] =	vst v3  }
0x23: {  	[tilespmem:s1+$0x7ED0] =	vst v3  }
0x24: {  	[tilespmem:s1+$0x7EE0] =	vst v3;
	s1 =	sshra.s32 s4, $0x2;
	s4 =	sadd.s32 $0x200, s4  }
0x25: {  	[tilespmem:s1+$0x7EF0] =	vst v3  }
0x26: {  	[tilespmem:s1+$0x7E80] =	vst v3  }
0x27: {  	[tilespmem:s1+$0x7E90] =	vst v3  }
0x28: {  	[tilespmem:s1+$0x7EA0] =	vst v3  }
0x29: {  	[tilespmem:s1+$0x7EB0] =	vst v3  }
0x2a: {  	[tilespmem:s1+$0x7EC0] =	vst v3  }
0x2b: {  	[tilespmem:s1+$0x7ED0] =	vst v3  }
0x2c: {  	[tilespmem:s1+$0x7EE0] =	vst v3  }
0x2d: {  	[spmem:s9] =	stream.linear.scatter [tilespmem:s21], [sflag:$0x2], $0x2400, $0x38;
	[tilespmem:$0x1E680] =	vst v63  }
0x2e: {  	_ =	swait.ge [sflag:s22], $0x2400  }
0x2f: {  	[sflag:s22] =	ssyncset.done $0x0  }
0x30: {  	s23 =	rddreg [dreg:$0x5];
	[sflag:s22] =	ssyncadd.s32 $0xFFFFDC00  }
0x31: {  	[spmem:s23] =	stream.linear.scatter [tilespmem:s21], [sflag:$0x2], $0x2400, $0x38;
	[tilespmem:$0x1E680] =	vst v63  }
0x32: {  	_ =	swait.ge [sflag:s22], $0x2400  }
0x33: {  	[sflag:s22] =	ssyncset.done $0x0  }
0x34: {  	[sflag:s22] =	ssyncadd.s32 $0xFFFFDC00  }
0x35: {  	[spmem:s11] =	stream.linear.scatter [tilespmem:s21], [sflag:$0x2], $0x2400, $0x38;
	[tilespmem:$0x1E680] =	vst v63  }
0x36: {  	_ =	swait.ge [sflag:s22], $0x2400  }
0x37: {  	[sflag:s22] =	ssyncset.done $0x0  }
0x38: {  	[sflag:s22] =	ssyncadd.s32 $0xFFFFDC00  }
0x39: {  	[spmem:s12] =	stream.linear.scatter [tilespmem:s21], [sflag:$0x2], $0x2400, $0x38;
	[tilespmem:$0x1E680] =	vst v63  }
0x3a: {  	_ =	swait.ge [sflag:s22], $0x2400  }
0x3b: {  	[sflag:s22] =	ssyncset.done $0x0  }
0x3c: {  	[sflag:s22] =	ssyncadd.s32 $0xFFFFDC00  }
0x3d: {  	[spmem:s13] =	stream.linear.scatter [tilespmem:s21], [sflag:$0x2], $0x2400, $0x38;
	[tilespmem:$0x1E680] =	vst v63  }
0x3e: {  	_ =	swait.ge [sflag:s22], $0x2400  }
0x3f: {  	[sflag:s22] =	ssyncset.done $0x0  }
0x40: {  	[sflag:s22] =	ssyncadd.s32 $0xFFFFDC00  }
0x41: {  	[spmem:s14] =	stream.linear.scatter [tilespmem:s21], [sflag:$0x2], $0x2400, $0x38;
	[tilespmem:$0x1E680] =	vst v63  }
0x42: {  	_ =	swait.ge [sflag:s22], $0x2400  }
0x43: {  	[sflag:s22] =	ssyncset.done $0x0  }
0x44: {  	[sflag:s22] =	ssyncadd.s32 $0xFFFFDC00  }
0x45: {  	[spmem:s15] =	stream.linear.scatter [tilespmem:s21], [sflag:$0x2], $0x2400, $0x38;
	[tilespmem:$0x1E680] =	vst v63  }
0x46: {  	_ =	swait.ge [sflag:s22], $0x2400  }
0x47: {  	[sflag:s22] =	ssyncset.done $0x0  }
0x48: {  	[sflag:s22] =	ssyncadd.s32 $0xFFFFDC00  }
0x49: {  	[spmem:s16] =	stream.linear.scatter [tilespmem:s21], [sflag:$0x2], $0x2400, $0x38;
	[tilespmem:$0x1E680] =	vst v63  }
0x4a: {  	_ =	swait.ge [sflag:s22], $0x2400  }
0x4b: {  	[sflag:s22] =	ssyncset.done $0x0  }
0x4c: {  	[sflag:s22] =	ssyncadd.s32 $0xFFFFDC00  }
0x4d: {  	[spmem:s17] =	stream.linear.scatter [tilespmem:s21], [sflag:$0x2], $0x2400, $0x38;
	[tilespmem:$0x1E680] =	vst v63  }
0x4e: {  	_ =	swait.ge [sflag:s22], $0x2400  }
0x4f: {  	[sflag:s22] =	ssyncset.done $0x0  }
0x50: {  	s1 =	simm.s32 $0x0;
	s4 =	simm.s32 $0x200;
	[sflag:s22] =	ssyncadd.s32 $0xFFFFDC00  }
.LBB2_4:
0x51: {  	p0 =	sne.s32 s4, $0x9E00;
	[tilespmem:s1+$0x5670] =	vst v3  }
0x52: {  	[tilespmem:s1+$0x5600] =	vst v3  }
0x53: {  	[tilespmem:s1+$0x5610] =	vst v3  }
.Ltmp1:
0x54: {  	[tilespmem:s1+$0x5620] =	vst v3;
	(pc) =	sbr.rel @p0 .LBB2_4-.Ltmp1, $4  }
0x55: {  	[tilespmem:s1+$0x5630] =	vst v3  }
0x56: {  	[tilespmem:s1+$0x5640] =	vst v3  }
0x57: {  	[tilespmem:s1+$0x5650] =	vst v3  }
0x58: {  	[tilespmem:s1+$0x5660] =	vst v3;
	s1 =	sshra.s32 s4, $0x2;
	s4 =	sadd.s32 $0x200, s4  }
0x59: {  	[tilespmem:s1+$0x5670] =	vst v3  }
0x5a: {  	[tilespmem:s1+$0x5600] =	vst v3  }
0x5b: {  	[tilespmem:s1+$0x5610] =	vst v3  }
0x5c: {  	[tilespmem:s1+$0x5620] =	vst v3  }
0x5d: {  	[tilespmem:s1+$0x5630] =	vst v3  }
0x5e: {  	[tilespmem:s1+$0x5640] =	vst v3  }
0x5f: {  	[tilespmem:s1+$0x5650] =	vst v3  }
0x60: {  	[tilespmem:s1+$0x5660] =	vst v3  }
0x61: {  	[bflag:$0x0] =	sbarrier.arrive $0xFFFF  }
0x62: {  	s1 =	simm.s32 $0x0;
	s5 =	simm.s32 $0x7E00;
	s4 =	rddreg [dreg:$0x2]  }
0x63: {  	[tilespmem:s5], [sflag:$0x2] =	stream.linear.gather [hbm4b:s4+s1], $0x80, $0x38;
	[tilespmem:$0x1E680] =	vst v63  }
0x64: {  	_ =	swait.ge [sflag:s22], $0x80  }
0x65: {  	[sflag:s22] =	ssyncset.done $0x0  }
0x66: {  	[sflag:s22] =	ssyncadd.s32 $0xFFFFFF80  }
0x67: {  	v20 =	vld [tilespmem:$0x7E00]  }
0x68: {  	v21 =	vld [tilespmem:$0x7E10]  }
0x69: {  	v22 =	vld [tilespmem:$0x7E20]  }
0x6a: {  	v23 =	vld [tilespmem:$0x7E30]  }
0x6b: {  	v24 =	vld [tilespmem:$0x7E40]  }
0x6c: {  	v25 =	vld [tilespmem:$0x7E50]  }
0x6d: {  	v26 =	vld [tilespmem:$0x7E60]  }
0x6e: {  	s5 =	simm.s32 $0x0;
	v27 =	vld [tilespmem:$0x7E70]  }
.LBB2_6:
0x6f: {  	s4 =	smul.u32 $0x50, s5;
	_ =	sdelay $0x1  }
0x70: {  	s4 =	sadd.s32 s18, s4  }
0x71: {  	s4 =	sshrl.u32 s4, $0x3  }
0x72: {  	s10 =	sadd.s32 s7, s4  }
0x73: {  	[tilespmem:s1], [sflag:$0x2] =	stream.linear.gather [hbm4b:s10+s1], $0x50, $0x38;
	[tilespmem:$0x1E680] =	vst v63  }
0x74: {  	_ =	swait.ge [sflag:s22], $0x50  }
0x75: {  	[sflag:s22] =	ssyncset.done $0x0  }
0x76: {  	s4 =	sadd.s32 s8, s4;
	[sflag:s22] =	ssyncadd.s32 $0xFFFFFFB0  }
0x77: {  	[tilespmem:s24], [sflag:$0x2] =	stream.linear.gather [hbm4b:s4+s1], $0x50, $0x38;
	[tilespmem:$0x1E680] =	vst v63  }
0x78: {  	_ =	swait.ge [sflag:s22], $0x50  }
0x79: {  	[sflag:s22] =	ssyncset.done $0x0  }
0x7a: {  	[sflag:s22] =	ssyncadd.s32 $0xFFFFFFB0  }
0x7b: {  	[tilespmem:s26], [sflag:$0x1] =	stream.indirect.gather [hbm4b:s0+s25], $0x80, s1, s25, $0xb8;
	[tilespmem:$0x1E680] =	vst v63  }
0x7c: {  	_ =	swait.ge [sflag:s28], $0x2800  }
0x7d: {  	[sflag:s28] =	ssyncset.done $0x0  }
0x7e: {  	[sflag:s28] =	ssyncadd.s32 $0xFFFFD800  }
0x7f: {  	[tilespmem:s29], [sflag:$0x1] =	stream.indirect.gather [hbm4b:s6+s25], $0x80, s24, s25, $0xb8;
	[tilespmem:$0x1E680] =	vst v63  }
0x80: {  	_ =	swait.ge [sflag:s28], $0x2800  }
0x81: {  	[sflag:s28] =	ssyncset.done $0x0  }
0x82: {  	s10 =	simm.s32 $0x0;
	[sflag:s28] =	ssyncadd.s32 $0xFFFFD800  }
0x83: {  	v28 =	vld [tilespmem:s10+$0x2900]  }
0x84: {  	v29 =	vld [tilespmem:s10+$0x100]  }
0x85: {  	v30 =	vld [tilespmem:s10+$0x2910]  }
0x86: {  	v31 =	vld [tilespmem:s10+$0x110]  }
0x87: {  	v32 =	vld [tilespmem:s10+$0x2920]  }
0x88: {  	v33 =	vld [tilespmem:s10+$0x120]  }
0x89: {  	v34 =	vld [tilespmem:s10+$0x2930];
	v28 =	vadd.f32 v28, v29  }
0x8a: {  	v35 =	vld [tilespmem:s10+$0x130]  }
0x8b: {  	v37 =	vld [tilespmem:s10+$0x2940];
	v30 =	vadd.f32 v30, v31;
	v36 =	vmul.f32 $2.000000030e-01, v28  }
0x8c: {  	v38 =	vld [tilespmem:s10+$0x140]  }
0x8d: {  	v39 =	vld [tilespmem:s10+$0x2950];
	v32 =	vadd.f32 v32, v33;
	v49 =	vmul.f32 $2.000000030e-01, v30;
	v28 =	vmax.f32 v28, v36  }
0x8e: {  	v40 =	vld [tilespmem:s10+$0x150];
	v28 =	vmul.f32 v28, v20  }
0x8f: {  	v41 =	vld [tilespmem:s10+$0x2960];
	v34 =	vadd.f32 v34, v35;
	v50 =	vmul.f32 $2.000000030e-01, v32;
	v30 =	vmax.f32 v30, v49  }
0x90: {  	v42 =	vld [tilespmem:s10+$0x160];
	v30 =	vmul.f32 v30, v21;
	v28 =	vadd.f32 $0.0e+00, v28  }
0x91: {  	v43 =	vld [tilespmem:s10+$0x2970];
	v37 =	vadd.f32 v37, v38;
	v51 =	vmul.f32 $2.000000030e-01, v34;
	v32 =	vmax.f32 v32, v50  }
0x92: {  	v52 =	vld [tilespmem:s10+$0x170];
	v28 =	vadd.f32 v30, v28;
	v30 =	vmul.f32 v32, v22  }
0x93: {  	v39 =	vadd.f32 v39, v40;
	v53 =	vmul.f32 $2.000000030e-01, v37;
	v34 =	vmax.f32 v34, v51  }
0x94: {  	v28 =	vadd.f32 v30, v28;
	v30 =	vmul.f32 v34, v23  }
0x95: {  	v56 =	vadd.f32 v41, v42;
	v55 =	vmul.f32 $2.000000030e-01, v39;
	v54 =	vmax.f32 v37, v53  }
0x96: {  	v28 =	vadd.f32 v30, v28;
	v30 =	vmul.f32 v54, v24  }
0x97: {  	v59 =	vadd.f32 v43, v52;
	v58 =	vmul.f32 $2.000000030e-01, v56;
	v57 =	vmax.f32 v39, v55  }
0x98: {  	v28 =	vadd.f32 v30, v28;
	v30 =	vmul.f32 v57, v25  }
0x99: {  	v61 =	vmul.f32 $2.000000030e-01, v59;
	v60 =	vmax.f32 v56, v58  }
0x9a: {  	v28 =	vadd.f32 v30, v28;
	v30 =	vmul.f32 v60, v26  }
0x9b: {  	v62 =	vmax.f32 v59, v61  }
0x9c: {  	v28 =	vadd.f32 v30, v28;
	v30 =	vmul.f32 v62, v27;
	_ =	sdelay $0x1  }
0x9d: {  	v28 =	vadd.f32 v30, v28;
	_ =	sdelay $0x1  }
0x9e: {  	v30 =	vperm.xlane v28, v0;
	_ =	sdelay $0x1  }
0x9f: {  	v28 =	vadd.f32 v28, v30;
	_ =	sdelay $0x1  }
0xa0: {  	v30 =	vperm.xlane v28, v1;
	_ =	sdelay $0x1  }
0xa1: {  	v28 =	vadd.f32 v28, v30;
	_ =	sdelay $0x1  }
0xa2: {  	v30 =	vperm.xlane v28, v2;
	_ =	sdelay $0x1  }
0xa3: {  	v28 =	vadd.f32 v28, v30;
	_ =	sdelay $0x1  }
0xa4: {  	v30 =	vperm.xlane v28, v4;
	_ =	sdelay $0x1  }
0xa5: {  	v28 =	vadd.f32 v28, v30;
	_ =	sdelay $0x1  }
0xa6: {  	v28 =	vmul.f32 $1.442695020e+00, v28;
	_ =	sdelay $0x1  }
0xa7: {  	(erf) = vpow2.f32 v28;
	_ =	sdelay $0x8  }
0xa8: {  	v28 =	vpop (erf)  }
0xa9: {  	v29 =	vmul.f32 v28, v29  }
0xaa: {  	v30 =	vmul.f32 v28, v31  }
0xab: {  	[tilespmem:s10+$0x100] =	vst v29;
	v29 =	vmul.f32 v28, v33  }
0xac: {  	[tilespmem:s10+$0x110] =	vst v30;
	v30 =	vmul.f32 v28, v35  }
0xad: {  	[tilespmem:s10+$0x120] =	vst v29;
	v29 =	vmul.f32 v28, v38  }
0xae: {  	[tilespmem:s10+$0x130] =	vst v30;
	v30 =	vmul.f32 v28, v40  }
0xaf: {  	[tilespmem:s10+$0x140] =	vst v29;
	v29 =	vmul.f32 v28, v42  }
0xb0: {  	[tilespmem:s10+$0x150] =	vst v30;
	v30 =	vmul.f32 v28, v52  }
0xb1: {  	[tilespmem:s10+$0x160] =	vst v29  }
0xb2: {  	s23 =	simm.s32 $0x5100;
	[tilespmem:s10+$0x170] =	vst v30  }
0xb3: {  	s4 =	simm.s32 $0x80;
	[tilespmem:s23+$0x0] =	vst v28  }
0xb4: {  	v31 =	vld [tilespmem:s4+$0x2900]  }
0xb5: {  	v28 =	vld [tilespmem:s4+$0x100]  }
0xb6: {  	v63 =	vld [tilespmem:s4+$0x2910]  }
0xb7: {  	v29 =	vld [tilespmem:s4+$0x110]  }
0xb8: {  	v34 =	vld [tilespmem:s4+$0x2920]  }
0xb9: {  	v30 =	vld [tilespmem:s4+$0x120]  }
0xba: {  	v33 =	vld [tilespmem:s4+$0x2930];
	v36 =	vadd.f32 v31, v28  }
0xbb: {  	v31 =	vld [tilespmem:s4+$0x130]  }
0xbc: {  	s10 =	simm.s32 $0x400;
	v32 =	vld [tilespmem:s4+$0x2940];
	v35 =	vadd.f32 v63, v29;
	v37 =	vmul.f32 $2.000000030e-01, v36  }
.LBB2_7:
0xbd: {  	p0 =	sne.s32 s10, $0x9E00;
	v38 =	vld [tilespmem:s4+$0x140]  }
0xbe: {  	v36 =	vmax.f32 v36, v37;
	v37 =	vmul.f32 $2.000000030e-01, v35;
	v34 =	vadd.f32 v34, v30;
	v39 =	vld [tilespmem:s4+$0x2950]  }
0xbf: {  	v36 =	vmul.f32 v36, v20;
	v40 =	vld [tilespmem:s4+$0x150]  }
0xc0: {  	v35 =	vmax.f32 v35, v37;
	v37 =	vmul.f32 $2.000000030e-01, v34;
	v33 =	vadd.f32 v33, v31;
	v41 =	vld [tilespmem:s4+$0x2960]  }
0xc1: {  	v36 =	vadd.f32 $0.0e+00, v36;
	v35 =	vmul.f32 v35, v21;
	v42 =	vld [tilespmem:s4+$0x160]  }
0xc2: {  	v34 =	vmax.f32 v34, v37;
	v37 =	vmul.f32 $2.000000030e-01, v33;
	v32 =	vadd.f32 v32, v38;
	v43 =	vld [tilespmem:s4+$0x2970]  }
0xc3: {  	v35 =	vadd.f32 v35, v36;
	v34 =	vmul.f32 v34, v22;
	v36 =	vld [tilespmem:s4+$0x170]  }
0xc4: {  	v33 =	vmax.f32 v33, v37;
	v37 =	vmul.f32 $2.000000030e-01, v32;
	v39 =	vadd.f32 v39, v40  }
0xc5: {  	v34 =	vadd.f32 v34, v35;
	v33 =	vmul.f32 v33, v23  }
0xc6: {  	v32 =	vmax.f32 v32, v37;
	v35 =	vmul.f32 $2.000000030e-01, v39;
	v37 =	vadd.f32 v41, v42  }
0xc7: {  	v33 =	vadd.f32 v33, v34;
	v32 =	vmul.f32 v32, v24  }
0xc8: {  	v34 =	vmax.f32 v39, v35;
	v35 =	vmul.f32 $2.000000030e-01, v37;
	v39 =	vadd.f32 v43, v36  }
0xc9: {  	v32 =	vadd.f32 v32, v33;
	v33 =	vmul.f32 v34, v25  }
0xca: {  	v34 =	vmax.f32 v37, v35;
	v35 =	vmul.f32 $2.000000030e-01, v39  }
0xcb: {  	v32 =	vadd.f32 v33, v32;
	v33 =	vmul.f32 v34, v26  }
0xcc: {  	v34 =	vmax.f32 v39, v35  }
0xcd: {  	v32 =	vadd.f32 v33, v32;
	v33 =	vmul.f32 v34, v27;
	_ =	sdelay $0x1  }
0xce: {  	v32 =	vadd.f32 v33, v32;
	_ =	sdelay $0x1  }
0xcf: {  	v33 =	vperm.xlane v32, v0;
	_ =	sdelay $0x1  }
0xd0: {  	v32 =	vadd.f32 v32, v33;
	_ =	sdelay $0x1  }
0xd1: {  	v33 =	vperm.xlane v32, v1;
	_ =	sdelay $0x1  }
0xd2: {  	v32 =	vadd.f32 v32, v33;
	_ =	sdelay $0x1  }
0xd3: {  	v33 =	vperm.xlane v32, v2;
	_ =	sdelay $0x1  }
0xd4: {  	v32 =	vadd.f32 v32, v33;
	_ =	sdelay $0x1  }
0xd5: {  	v33 =	vperm.xlane v32, v4;
	_ =	sdelay $0x1  }
0xd6: {  	v32 =	vadd.f32 v32, v33;
	_ =	sdelay $0x1  }
0xd7: {  	v32 =	vmul.f32 $1.442695020e+00, v32;
	_ =	sdelay $0x1  }
0xd8: {  	(erf) = vpow2.f32 v32;
	_ =	sdelay $0x8  }
0xd9: {  	v32 =	vpop (erf)  }
0xda: {  	v28 =	vmul.f32 v32, v28  }
0xdb: {  	v29 =	vmul.f32 v32, v29  }
0xdc: {  	[tilespmem:s4+$0x100] =	vst v28;
	v28 =	vmul.f32 v32, v30  }
0xdd: {  	[tilespmem:s4+$0x110] =	vst v29;
	v29 =	vmul.f32 v32, v31  }
0xde: {  	[tilespmem:s4+$0x120] =	vst v28;
	v28 =	vmul.f32 v32, v38  }
0xdf: {  	[tilespmem:s4+$0x130] =	vst v29;
	v29 =	vmul.f32 v32, v40  }
0xe0: {  	[tilespmem:s4+$0x140] =	vst v28;
	v28 =	vmul.f32 v32, v42  }
0xe1: {  	[tilespmem:s4+$0x150] =	vst v29;
	v29 =	vmul.f32 v32, v36  }
0xe2: {  	[tilespmem:s4+$0x160] =	vst v28  }
0xe3: {  	s23 =	sadd.s32 $0x10, s23;
	[tilespmem:s4+$0x170] =	vst v29  }
0xe4: {  	s4 =	sshra.s32 s10, $0x2;
	[tilespmem:s23+$0x0] =	vst v32  }
0xe5: {  	v31 =	vld [tilespmem:s4+$0x2900]  }
0xe6: {  	v28 =	vld [tilespmem:s4+$0x100]  }
0xe7: {  	v32 =	vld [tilespmem:s4+$0x2910]  }
0xe8: {  	v29 =	vld [tilespmem:s4+$0x110]  }
.Ltmp2:
0xe9: {  	v34 =	vld [tilespmem:s4+$0x2920];
	(pc) =	sbr.rel @p0 .LBB2_7-.Ltmp2, $4  }
0xea: {  	v30 =	vld [tilespmem:s4+$0x120]  }
0xeb: {  	v36 =	vadd.f32 v31, v28;
	v33 =	vld [tilespmem:s4+$0x2930]  }
0xec: {  	v31 =	vld [tilespmem:s4+$0x130]  }
0xed: {  	s10 =	sadd.s32 $0x200, s10;
	v37 =	vmul.f32 $2.000000030e-01, v36;
	v35 =	vadd.f32 v32, v29;
	v32 =	vld [tilespmem:s4+$0x2940]  }
0xee: {  	v38 =	vld [tilespmem:s4+$0x140]  }
0xef: {  	v39 =	vld [tilespmem:s4+$0x2950];
	v36 =	vmax.f32 v36, v37;
	v50 =	vmul.f32 $2.000000030e-01, v35;
	v34 =	vadd.f32 v34, v30  }
0xf0: {  	v40 =	vld [tilespmem:s4+$0x150];
	v36 =	vmul.f32 v36, v20  }
0xf1: {  	v41 =	vld [tilespmem:s4+$0x2960];
	v35 =	vmax.f32 v35, v50;
	v51 =	vmul.f32 $2.000000030e-01, v34;
	v33 =	vadd.f32 v33, v31  }
0xf2: {  	v42 =	vld [tilespmem:s4+$0x160];
	v36 =	vadd.f32 $0.0e+00, v36;
	v35 =	vmul.f32 v35, v21  }
0xf3: {  	v43 =	vld [tilespmem:s4+$0x2970];
	v34 =	vmax.f32 v34, v51;
	v52 =	vmul.f32 $2.000000030e-01, v33;
	v32 =	vadd.f32 v32, v38  }
0xf4: {  	v53 =	vld [tilespmem:s4+$0x170];
	v35 =	vadd.f32 v35, v36;
	v34 =	vmul.f32 v34, v22  }
0xf5: {  	v39 =	vadd.f32 v39, v40;
	v33 =	vmax.f32 v33, v52;
	v54 =	vmul.f32 $2.000000030e-01, v32  }
0xf6: {  	v34 =	vadd.f32 v34, v35;
	v33 =	vmul.f32 v33, v23  }
0xf7: {  	v56 =	vadd.f32 v41, v42;
	v55 =	vmul.f32 $2.000000030e-01, v39;
	v32 =	vmax.f32 v32, v54  }
0xf8: {  	v33 =	vadd.f32 v33, v34;
	v32 =	vmul.f32 v32, v24  }
0xf9: {  	v59 =	vadd.f32 v43, v53;
	v58 =	vmul.f32 $2.000000030e-01, v56;
	v57 =	vmax.f32 v39, v55  }
0xfa: {  	v60 =	vmul.f32 v57, v25;
	v32 =	vadd.f32 v32, v33  }
0xfb: {  	v62 =	vmul.f32 $2.000000030e-01, v59;
	v61 =	vmax.f32 v56, v58  }
0xfc: {  	v63 =	vmul.f32 v61, v26;
	v32 =	vadd.f32 v60, v32  }
0xfd: {  	v37 =	vmax.f32 v59, v62  }
0xfe: {  	v39 =	vmul.f32 v37, v27;
	v32 =	vadd.f32 v63, v32;
	_ =	sdelay $0x1  }
0xff: {  	v32 =	vadd.f32 v39, v32;
	_ =	sdelay $0x1  }
0x100: {  	v33 =	vperm.xlane v32, v0;
	_ =	sdelay $0x1  }
0x101: {  	v32 =	vadd.f32 v32, v33;
	_ =	sdelay $0x1  }
0x102: {  	v33 =	vperm.xlane v32, v1;
	_ =	sdelay $0x1  }
0x103: {  	v32 =	vadd.f32 v32, v33;
	_ =	sdelay $0x1  }
0x104: {  	v33 =	vperm.xlane v32, v2;
	_ =	sdelay $0x1  }
0x105: {  	v32 =	vadd.f32 v32, v33;
	_ =	sdelay $0x1  }
0x106: {  	v33 =	vperm.xlane v32, v4;
	_ =	sdelay $0x1  }
0x107: {  	v32 =	vadd.f32 v32, v33;
	_ =	sdelay $0x1  }
0x108: {  	v32 =	vmul.f32 $1.442695020e+00, v32;
	_ =	sdelay $0x1  }
0x109: {  	(erf) = vpow2.f32 v32;
	_ =	sdelay $0x8  }
0x10a: {  	v32 =	vpop (erf)  }
0x10b: {  	v28 =	vmul.f32 v32, v28  }
0x10c: {  	v29 =	vmul.f32 v32, v29  }
0x10d: {  	[tilespmem:s4+$0x100] =	vst v28;
	v28 =	vmul.f32 v32, v30  }
0x10e: {  	[tilespmem:s4+$0x110] =	vst v29;
	v29 =	vmul.f32 v32, v31  }
0x10f: {  	[tilespmem:s4+$0x120] =	vst v28;
	v28 =	vmul.f32 v32, v38  }
0x110: {  	[tilespmem:s4+$0x130] =	vst v29;
	v29 =	vmul.f32 v32, v40  }
0x111: {  	[tilespmem:s4+$0x140] =	vst v28;
	v28 =	vmul.f32 v32, v42  }
0x112: {  	[tilespmem:s4+$0x150] =	vst v29;
	v29 =	vmul.f32 v32, v53  }
0x113: {  	[tilespmem:s4+$0x160] =	vst v28  }
0x114: {  	s23 =	sadd.s32 $0x10, s23;
	[tilespmem:s4+$0x170] =	vst v29  }
0x115: {  	[tilespmem:s23+$0x0] =	vst v32  }
0x116: {  	[spmem:s3] =	stream.indirect.scatter.add.f32 [tilespmem:s26], [sflag:$0x2], $0x80, s24, s25, $0xb8;
	[tilespmem:$0x1E680] =	vst v63  }
0x117: {  	_ =	swait.ge [sflag:s22], $0x2800  }
0x118: {  	[sflag:s22] =	ssyncset.done $0x0  }
0x119: {  	[sflag:s22] =	ssyncadd.s32 $0xFFFFD800  }
0x11a: {  	v28 =	vld [tilespmem:$0x80]  }
0x11b: {  	v29 =	vld.idx.msk [tilespmem:v5+s30+$0x0], $0xffff;
	_ =	sdelay $0x3  }
0x11c: {  	v28 =	vxor.u32 $0x80000000, v28  }
0x11d: {  	(xrf1) =	vsort.ascd.msk.u32 $0xffff, v28, v29;
	_ =	sdelay $0xd  }
0x11e: {  	v28, v29, _ =	vpop (xrf1)  }
0x11f: {  	v28 =	vxor.u32 $0x80000000, v28  }
0x120: {  	v40 =	vperm.xlane v28, v6;
	_ =	sdelay $0x1  }
0x121: {  	v41 =	vperm.xlane v29, v6;
	vm5 =	veq.s32 v40, v28  }
0x122: {  	vm5 =	vmand vm5, vm0  }
0x123: {  	v42 =	vnsel vm5, $0x0, v41  }
0x124: {  	v43 =	vperm.xlane v28, v7;
	v29 =	vadd.f32 v42, v29;
	_ =	sdelay $0x1  }
0x125: {  	vm5 =	veq.s32 v43, v28;
	v44 =	vperm.xlane v29, v7  }
0x126: {  	vm5 =	vmand vm5, vm1  }
0x127: {  	v45 =	vnsel vm5, $0x0, v44  }
0x128: {  	v46 =	vperm.xlane v28, v8;
	v29 =	vadd.f32 v29, v45;
	_ =	sdelay $0x1  }
0x129: {  	vm5 =	veq.s32 v46, v28;
	v47 =	vperm.xlane v29, v8  }
0x12a: {  	v48 =	vperm.xlane v28, v10;
	vm5 =	vmand vm5, vm2  }
0x12b: {  	v31 =	vnsel vm5, $0x0, v47  }
0x12c: {  	v49 =	vperm.xlane v28, v9;
	vm5 =	vne.s32 v48, v28;
	v29 =	vadd.f32 v31, v29  }
0x12d: {  	vm5 =	vmor vm5, vm4  }
0x12e: {  	vm6 =	veq.s32 v49, v28;
	v50 =	vperm.xlane v29, v9  }
0x12f: {  	vm6 =	vmand vm6, vm3  }
0x130: {  	v30 =	vnsel vm6, $0x0, v50  }
0x131: {  	v29 =	vadd.f32 v30, v29;
	_ =	sdelay $0x1  }
0x132: {  	[tilespmem:v28+s31+$0x0] =	vst.idx.add.f32.msk vm5, v29  }
0x133: {  	v28 =	vld [tilespmem:$0x90]  }
0x134: {  	v29 =	vld.idx.msk [tilespmem:v11+s30+$0x0], $0xffff;
	_ =	sdelay $0x3  }
0x135: {  	v28 =	vxor.u32 $0x80000000, v28  }
0x136: {  	(xrf1) =	vsort.ascd.msk.u32 $0xffff, v28, v29;
	_ =	sdelay $0xd  }
0x137: {  	v28, v29, _ =	vpop (xrf1)  }
0x138: {  	v28 =	vxor.u32 $0x80000000, v28  }
0x139: {  	v51 =	vperm.xlane v28, v6;
	_ =	sdelay $0x1  }
0x13a: {  	v52 =	vperm.xlane v29, v6;
	vm5 =	veq.s32 v51, v28  }
0x13b: {  	vm5 =	vmand vm5, vm0  }
0x13c: {  	v53 =	vnsel vm5, $0x0, v52  }
0x13d: {  	v54 =	vperm.xlane v28, v7;
	v29 =	vadd.f32 v53, v29;
	_ =	sdelay $0x1  }
0x13e: {  	vm5 =	veq.s32 v54, v28;
	v55 =	vperm.xlane v29, v7  }
0x13f: {  	vm5 =	vmand vm5, vm1  }
0x140: {  	v56 =	vnsel vm5, $0x0, v55  }
0x141: {  	v57 =	vperm.xlane v28, v8;
	v29 =	vadd.f32 v29, v56;
	_ =	sdelay $0x1  }
0x142: {  	vm5 =	veq.s32 v57, v28;
	v58 =	vperm.xlane v29, v8  }
0x143: {  	v59 =	vperm.xlane v28, v10;
	vm5 =	vmand vm5, vm2  }
0x144: {  	v31 =	vnsel vm5, $0x0, v58  }
0x145: {  	v60 =	vperm.xlane v28, v9;
	vm5 =	vne.s32 v59, v28;
	v29 =	vadd.f32 v31, v29  }
0x146: {  	vm5 =	vmor vm5, vm4  }
0x147: {  	vm6 =	veq.s32 v60, v28;
	v61 =	vperm.xlane v29, v9  }
0x148: {  	vm6 =	vmand vm6, vm3  }
0x149: {  	v30 =	vnsel vm6, $0x0, v61  }
0x14a: {  	v29 =	vadd.f32 v30, v29;
	_ =	sdelay $0x1  }
0x14b: {  	[tilespmem:v28+s31+$0x0] =	vst.idx.add.f32.msk vm5, v29  }
0x14c: {  	v28 =	vld [tilespmem:$0xA0]  }
0x14d: {  	v29 =	vld.idx.msk [tilespmem:v12+s30+$0x0], $0xffff;
	_ =	sdelay $0x3  }
0x14e: {  	v28 =	vxor.u32 $0x80000000, v28  }
0x14f: {  	(xrf1) =	vsort.ascd.msk.u32 $0xffff, v28, v29;
	_ =	sdelay $0xd  }
0x150: {  	v28, v29, _ =	vpop (xrf1)  }
0x151: {  	v28 =	vxor.u32 $0x80000000, v28  }
0x152: {  	v62 =	vperm.xlane v28, v6;
	_ =	sdelay $0x1  }
0x153: {  	v63 =	vperm.xlane v29, v6;
	vm5 =	veq.s32 v62, v28  }
0x154: {  	vm5 =	vmand vm5, vm0  }
0x155: {  	v33 =	vnsel vm5, $0x0, v63  }
0x156: {  	v34 =	vperm.xlane v28, v7;
	v29 =	vadd.f32 v33, v29;
	_ =	sdelay $0x1  }
0x157: {  	vm5 =	veq.s32 v34, v28;
	v35 =	vperm.xlane v29, v7  }
0x158: {  	vm5 =	vmand vm5, vm1  }
0x159: {  	v36 =	vnsel vm5, $0x0, v35  }
0x15a: {  	v37 =	vperm.xlane v28, v8;
	v29 =	vadd.f32 v29, v36;
	_ =	sdelay $0x1  }
0x15b: {  	vm5 =	veq.s32 v37, v28;
	v38 =	vperm.xlane v29, v8  }
0x15c: {  	v39 =	vperm.xlane v28, v10;
	vm5 =	vmand vm5, vm2  }
0x15d: {  	v31 =	vnsel vm5, $0x0, v38  }
0x15e: {  	v40 =	vperm.xlane v28, v9;
	vm5 =	vne.s32 v39, v28;
	v29 =	vadd.f32 v31, v29  }
0x15f: {  	vm5 =	vmor vm5, vm4  }
0x160: {  	vm6 =	veq.s32 v40, v28;
	v41 =	vperm.xlane v29, v9  }
0x161: {  	vm6 =	vmand vm6, vm3  }
0x162: {  	v30 =	vnsel vm6, $0x0, v41  }
0x163: {  	v29 =	vadd.f32 v30, v29;
	_ =	sdelay $0x1  }
0x164: {  	[tilespmem:v28+s31+$0x0] =	vst.idx.add.f32.msk vm5, v29  }
0x165: {  	v28 =	vld [tilespmem:$0xB0]  }
0x166: {  	v29 =	vld.idx.msk [tilespmem:v13+s30+$0x0], $0xffff;
	_ =	sdelay $0x3  }
0x167: {  	v28 =	vxor.u32 $0x80000000, v28  }
0x168: {  	(xrf1) =	vsort.ascd.msk.u32 $0xffff, v28, v29;
	_ =	sdelay $0xd  }
0x169: {  	v28, v29, _ =	vpop (xrf1)  }
0x16a: {  	v28 =	vxor.u32 $0x80000000, v28  }
0x16b: {  	v42 =	vperm.xlane v28, v6;
	_ =	sdelay $0x1  }
0x16c: {  	v43 =	vperm.xlane v29, v6;
	vm5 =	veq.s32 v42, v28  }
0x16d: {  	vm5 =	vmand vm5, vm0  }
0x16e: {  	v44 =	vnsel vm5, $0x0, v43  }
0x16f: {  	v45 =	vperm.xlane v28, v7;
	v29 =	vadd.f32 v44, v29;
	_ =	sdelay $0x1  }
0x170: {  	vm5 =	veq.s32 v45, v28;
	v46 =	vperm.xlane v29, v7  }
0x171: {  	vm5 =	vmand vm5, vm1  }
0x172: {  	v47 =	vnsel vm5, $0x0, v46  }
0x173: {  	v48 =	vperm.xlane v28, v8;
	v29 =	vadd.f32 v29, v47;
	_ =	sdelay $0x1  }
0x174: {  	vm5 =	veq.s32 v48, v28;
	v49 =	vperm.xlane v29, v8  }
0x175: {  	v50 =	vperm.xlane v28, v10;
	vm5 =	vmand vm5, vm2  }
0x176: {  	v31 =	vnsel vm5, $0x0, v49  }
0x177: {  	v51 =	vperm.xlane v28, v9;
	vm5 =	vne.s32 v50, v28;
	v29 =	vadd.f32 v31, v29  }
0x178: {  	vm5 =	vmor vm5, vm4  }
0x179: {  	vm6 =	veq.s32 v51, v28;
	v52 =	vperm.xlane v29, v9  }
0x17a: {  	vm6 =	vmand vm6, vm3  }
0x17b: {  	v30 =	vnsel vm6, $0x0, v52  }
0x17c: {  	v29 =	vadd.f32 v30, v29;
	_ =	sdelay $0x1  }
0x17d: {  	[tilespmem:v28+s31+$0x0] =	vst.idx.add.f32.msk vm5, v29  }
0x17e: {  	v28 =	vld [tilespmem:$0xC0]  }
0x17f: {  	v29 =	vld.idx.msk [tilespmem:v14+s30+$0x0], $0xffff;
	_ =	sdelay $0x3  }
0x180: {  	v28 =	vxor.u32 $0x80000000, v28  }
0x181: {  	(xrf1) =	vsort.ascd.msk.u32 $0xffff, v28, v29;
	_ =	sdelay $0xd  }
0x182: {  	v28, v29, _ =	vpop (xrf1)  }
0x183: {  	v28 =	vxor.u32 $0x80000000, v28  }
0x184: {  	v53 =	vperm.xlane v28, v6;
	_ =	sdelay $0x1  }
0x185: {  	v54 =	vperm.xlane v29, v6;
	vm5 =	veq.s32 v53, v28  }
0x186: {  	vm5 =	vmand vm5, vm0  }
0x187: {  	v55 =	vnsel vm5, $0x0, v54  }
0x188: {  	v56 =	vperm.xlane v28, v7;
	v29 =	vadd.f32 v55, v29;
	_ =	sdelay $0x1  }
0x189: {  	vm5 =	veq.s32 v56, v28;
	v57 =	vperm.xlane v29, v7  }
0x18a: {  	vm5 =	vmand vm5, vm1  }
0x18b: {  	v58 =	vnsel vm5, $0x0, v57  }
0x18c: {  	v59 =	vperm.xlane v28, v8;
	v29 =	vadd.f32 v29, v58;
	_ =	sdelay $0x1  }
0x18d: {  	vm5 =	veq.s32 v59, v28;
	v60 =	vperm.xlane v29, v8  }
0x18e: {  	v61 =	vperm.xlane v28, v10;
	vm5 =	vmand vm5, vm2  }
0x18f: {  	v31 =	vnsel vm5, $0x0, v60  }
0x190: {  	v62 =	vperm.xlane v28, v9;
	vm5 =	vne.s32 v61, v28;
	v29 =	vadd.f32 v31, v29  }
0x191: {  	s5 =	sadd.s32 $0x1, s5;
	vm5 =	vmor vm5, vm4  }
0x192: {  	p0 =	sne.s32 s5, $0x7D;
	vm6 =	veq.s32 v62, v28;
	v63 =	vperm.xlane v29, v9  }
.Ltmp3:
0x193: {  	vm6 =	vmand vm6, vm3;
	(pc) =	sbr.rel @p0 .LBB2_6-.Ltmp3, $3  }
0x194: {  	v30 =	vnsel vm6, $0x0, v63  }
0x195: {  	v29 =	vadd.f32 v30, v29;
	_ =	sdelay $0x1  }
0x196: {  	[tilespmem:v28+s31+$0x0] =	vst.idx.add.f32.msk vm5, v29  }
0x197: {  	[tilespmem:$0x0] =	vst v15  }
0x198: {  	[tilespmem:$0x10] =	vst v16  }
0x199: {  	[tilespmem:$0x20] =	vst v17  }
0x19a: {  	[tilespmem:$0x30] =	vst v18  }
0x19b: {  	[tilespmem:$0x40] =	vst v19;
	s1 =	simm.s32 $0x0  }
0x19c: {  	[spmem:s3] =	stream.indirect.scatter.add.f32 [tilespmem:s31], [sflag:$0x2], $0x80, s1, s25, $0xb8;
	[tilespmem:$0x1E680] =	vst v63  }
0x19d: {  	s23 =	stileid.u32;
	_ =	swait.ge [sflag:s22], $0x2800  }
0x19e: {  	s4 =	sshrl.u32 s9, $0x3;
	s2 =	sadd.s32 $0x1, s2;
	[sflag:s22] =	ssyncset.done $0x0  }
0x19f: {  	s1 =	sshll.u32 s23, $0x6;
	p0 =	sne.s32 s2, s20;
	[sflag:s22] =	ssyncadd.s32 $0xFFFFD800  }
.Ltmp4:
0x1a0: {  	s1 =	sor.u32 $0x1C02, s1;
	[bflag:$0x0] =	sbarrier.arrive $0xFFFF;
	(pc) =	sbr.rel @p0 .LBB2_1-.Ltmp4, $4  }
0x1a1: {  	[hbm:s19], [sflag:s1] =	dma.local [spmem:s4], $0x2880  }
0x1a2: {  	_ =	swait.ge [sflag:s22], $0x2880  }
0x1a3: {  	[sflag:s22] =	ssyncset.done $0x0  }
0x1a4: {  	[sflag:s22] =	ssyncadd.s32 $0xFFFFD780  }
0x1a5: {  	_ =	sfence.sel $0x180000  }
0x1a6: {  	[bflag:$0x0] =	sbarrier.arrive $0xFFFF  }
0x1a7: {  	_ =	strace $0x90000047  }
0x1a8: {  	s0 =	stileid.u32;
	[bflag:$0x2] =	sbarrier.arrive $0xFFFF  }
0x1a9: {  	p0 =	sne.s32 s0, $0x0;
	s0 =	rddreg [dreg:$0x4]  }
0x1aa: {  	s0 =	sadd.s32 @!p0 $0x100000, s0  }
0x1ab: {  	[sflag:s0] =	ssyncadd.tile.s32 @!p0 $0x1;
	_ =	shalt  }
.Lfunc_end2:
_tile_overlayer_lowered:
.L_overlay_start_2:
0x1ac: {  	(tag) =	ssettag $0x2  }
0x1ad: {  	s0 =	rddreg [dreg:$0x0];
	s2 =	stileid.u32  }
0x1ae: {  	s1 =	rddreg [dreg:$0x1];
	p0 =	sne.s32 s2, $0x0  }
0x1af: {  	s3 =	rddreg [dreg:$0x2];
	[bflag:$0x3] =	sbarrier.arrive $0xFFFF;
	s2 =	simm.s32 @!p0 $0x1C02  }
0x1b0: {  	[timem:s3], [sflag:s2] =	dma.local @!p0 [hbm:s0], s1  }
0x1b1: {  	s0 =	simm.s32 @!p0 $0x2  }
0x1b2: {  	_ =	swait.ge @!p0 [sflag:s0], s1  }
0x1b3: {  	s1 =	ssub.s32 @!p0 $0x0, s1;
	[sflag:s0] =	ssyncset.done @!p0 $0x0  }
0x1b4: {  	[sflag:s0] =	ssyncadd.s32 @!p0 s1  }
0x1b5: {  	[bflag:$0x3] =	sbarrier.arrive $0xFFFF  }
0x1b6: {  	_ =	shalt  }

</sc_bundles>
